<compile_context>
chip_gen: v7x
topology: tpu7x:2x2x1
jax: 0.10.2.dev20260603
libtpu: 0.0.44.dev20260713+nightly
codegen_flags: <defaults>
</compile_context>

<pallas_src>
import jax
import jax.numpy as jnp
from jax import lax
from jax.experimental import pallas as pl
from jax.experimental.pallas import tpu as pltpu
from jax.experimental.pallas import tpu_sc as plsc

N_NODES = 10000
N_EDGES = 320000
D = 128

NC = 2
NS = 16
NW = NC * NS
CHUNK = 128
HALF = 41
CPW = 2 * HALF
E_PAD = NW * CPW * CHUNK
RPT = 632
N_PAD = NS * RPT

SUB = 32
NSUB = 4


def _gather_chunk(x_hbm, idx, rows, semg, l, b):
    for hf in range(NSUB):
        pltpu.async_copy(
            x_hbm.at[idx.at[l, 0, pl.ds(hf * SUB, SUB)]],
            rows[b].at[pl.ds(hf * SUB, SUB)],
            semg[NSUB * b + hf])


def _wait_chunk(x_hbm, idx, rows, semg, l, b):
    for hf in range(NSUB):
        pltpu.make_async_copy(
            x_hbm.at[idx.at[l, 0, pl.ds(hf * SUB, SUB)]],
            rows[b].at[pl.ds(hf * SUB, SUB)],
            semg[NSUB * b + hf]).wait()


def _sc_body(x_hbm, sd_hbm, out_hbm,
             idx, rows0, rows1, acc,
             semg0, semg1, semg2, semg3, semg4, semg5, semg6, semg7):
    c = lax.axis_index("c")
    s = lax.axis_index("s")
    wid = c * NS + s
    rows = (rows0, rows1)
    semg = (semg0, semg1, semg2, semg3, semg4, semg5, semg6, semg7)

    zv = jnp.zeros((16,), jnp.float32)

    def zinit(i, carry):
        for k in range(8):
            rows1[i, pl.ds(k * 16, 16)] = zv
        return carry

    lax.fori_loop(0, CHUNK, zinit, 0)
    for q in range(4):
        pltpu.sync_copy(rows1, acc.at[pl.ds(s * RPT + q * CHUNK, CHUNK)])
    pltpu.sync_copy(rows1.at[pl.ds(0, RPT - 4 * CHUNK)],
                    acc.at[pl.ds(s * RPT + 4 * CHUNK, RPT - 4 * CHUNK)])

    pltpu.sync_copy(sd_hbm.at[wid, pl.ds(0, HALF)], idx)
    _gather_chunk(x_hbm, idx, rows, semg, 0, 0)
    plsc.subcore_barrier()

    def half_loop(h):
        if h > 0:
            pltpu.sync_copy(sd_hbm.at[wid, pl.ds(h * HALF, HALF)], idx)
            _gather_chunk(x_hbm, idx, rows, semg, 0, 0)

        def inner(i, carry):
            for r in range(2):
                l = i * 2 + r
                b = r
                _gather_chunk(x_hbm, idx, rows, semg, l + 1, 1 - b)
                _wait_chunk(x_hbm, idx, rows, semg, l, b)
                pltpu.sync_copy(rows[b], acc.at[idx.at[l, 1]], add=True)
            return carry

        lax.fori_loop(0, (HALF - 1) // 2, inner, 0)
        bt = (HALF - 1) % 2
        _wait_chunk(x_hbm, idx, rows, semg, HALF - 1, bt)
        pltpu.sync_copy(rows[bt], acc.at[idx.at[HALF - 1, 1]], add=True)

    half_loop(0)
    half_loop(1)

    plsc.subcore_barrier()
    pltpu.sync_copy(acc.at[pl.ds(s * RPT, RPT)],
                    out_hbm.at[c, pl.ds(s * RPT, RPT)])


_sc_segment_sum = pl.kernel(
    _sc_body,
    out_type=jax.ShapeDtypeStruct((NC, N_PAD, D), jnp.float32),
    mesh=plsc.VectorSubcoreMesh(core_axis_name="c", subcore_axis_name="s"),
    scratch_types=[
        pltpu.VMEM((HALF, 2, CHUNK), jnp.int32),
        pltpu.VMEM((CHUNK, D), jnp.float32),
        pltpu.VMEM((CHUNK, D), jnp.float32),
        pltpu.VMEM_SHARED((N_PAD, D), jnp.float32),
    ] + [pltpu.SemaphoreType.DMA] * 8,
)


def _tc_body(acc_ref, w_ref, o1_ref, o2_ref):
    a = acc_ref[0] + acc_ref[1]
    y = jnp.dot(a, w_ref[...], preferred_element_type=jnp.float32)
    o1_ref[...] = y[:, :D]
    o2_ref[...] = jax.nn.sigmoid(y[:, D:])


_BLK = 2000

_tc_finish = pl.pallas_call(
    _tc_body,
    grid=(N_NODES // _BLK,),
    in_specs=[
        pl.BlockSpec((NC, _BLK, D), lambda i: (0, i, 0)),
        pl.BlockSpec((D, 2 * D), lambda i: (0, 0)),
    ],
    out_specs=[
        pl.BlockSpec((_BLK, D), lambda i: (i, 0)),
        pl.BlockSpec((_BLK, D), lambda i: (i, 0)),
    ],
    out_shape=[
        jax.ShapeDtypeStruct((N_NODES, D), jnp.float32),
        jax.ShapeDtypeStruct((N_NODES, D), jnp.float32),
    ],
)


def kernel(x, edge_index, W1, W2, W3):
    src = edge_index[0].astype(jnp.int32)
    dst = edge_index[1].astype(jnp.int32)
    pad_e = E_PAD - N_EDGES
    pad_src = jnp.arange(pad_e, dtype=jnp.int32) % 8
    pad_dst = N_NODES + (jnp.arange(pad_e, dtype=jnp.int32) % (N_PAD - N_NODES))
    src_p = jnp.concatenate([src, pad_src]).reshape(NW, CPW, 1, CHUNK)
    dst_p = jnp.concatenate([dst, pad_dst]).reshape(NW, CPW, 1, CHUNK)
    sd = jnp.concatenate([src_p, dst_p], axis=2)
    part = _sc_segment_sum(x, sd)
    wcat = jnp.concatenate([W1, W2 + W3], axis=1)
    out_plain, out_merged = _tc_finish(part, wcat)
    return (out_plain, out_merged)

# --- scband reference (transcript-rebuilt; emitter-appended) ---
"""Pipeline reference for scband-level-46119358825045 (READ-ONLY COPY).

The authoritative reference and input builder live on the scoring server;
editing this copy changes nothing except your own understanding.
"""

import jax, jax.numpy as jnp
import numpy as np

N_NODES = 10000
N_EDGES = 320000
D = 128


def setup_inputs(seed: int = 0) -> dict:
    key = jax.random.key(seed)
    k1, k2, k3, k4, k5 = jax.random.split(key, 5)
    x = jax.random.normal(k1, (N_NODES, D), dtype=jnp.float32)
    edge_index = jax.random.randint(k2, (2, N_EDGES), 0, N_NODES)
    # learned parameters: one linear weight per MessagePassingConv.
    # _Level has message_passings = [mp1, [mp2, mp3]] -> one plain conv and one
    # merged neighborhood pair aggregated with inter_aggr='sum' then sigmoid.
    W1 = 0.05 * jax.random.normal(k3, (D, D), dtype=jnp.float32)
    W2 = 0.05 * jax.random.normal(k4, (D, D), dtype=jnp.float32)
    W3 = 0.05 * jax.random.normal(k5, (D, D), dtype=jnp.float32)
    return {"x": x, "edge_index": edge_index, "W1": W1, "W2": W2, "W3": W3}


def reference(x, edge_index, W1, W2, W3):
    src = edge_index[0]
    dst = edge_index[1]

    def mp_conv(h, W):
        # transform then gather messages along edges, scatter-add to dst nodes
        hw = h @ W
        msgs = jnp.take(hw, src, axis=0)
        return jax.ops.segment_sum(msgs, dst, num_segments=N_NODES)

    # plain message passing (element 0 of message_passings list)
    out_plain = mp_conv(x, W1)
    # merged neighborhoods (element 1 is a list): _Merge with inter_aggr='sum'
    # Step 3: sum over neighborhoods; Step 4: sigmoid update
    merged = mp_conv(x, W2) + mp_conv(x, W3)
    out_merged = jax.nn.sigmoid(merged)
    return (out_plain, out_merged)

if __name__ == "__main__":
    import jax
    _d = setup_inputs()
    print(jax.jit(kernel)(*tuple(_d.values())))

</pallas_src>

<mosaic_0001>
#map = affine_map<(d0, d1) -> (0, 0)>
#map1 = affine_map<(d0, d1) -> (0, 0, 0, 0)>
#map2 = affine_map<(d0, d1) -> (0, 0, 0)>
module attributes {stable_mosaic.version = 14 : i64} {
  func.func @_sc_body(%arg0: i32, %arg1: i32, %arg2: memref<10000x128xf32, #tpu.memory_space<hbm>>, %arg3: memref<32x82x2x128xi32, #tpu.memory_space<hbm>>, %arg4: memref<2x10112x128xf32, #tpu.memory_space<hbm>>, %arg5: memref<41x2x128xi32, #tpu.memory_space<vmem>>, %arg6: memref<128x128xf32, #tpu.memory_space<vmem>>, %arg7: memref<128x128xf32, #tpu.memory_space<vmem>>, %arg8: memref<10112x128xf32, #tpu.memory_space<vmem_shared>>, %arg9: memref<!tpu.dma_semaphore, #tpu.memory_space<semaphore_mem>>, %arg10: memref<!tpu.dma_semaphore, #tpu.memory_space<semaphore_mem>>, %arg11: memref<!tpu.dma_semaphore, #tpu.memory_space<semaphore_mem>>, %arg12: memref<!tpu.dma_semaphore, #tpu.memory_space<semaphore_mem>>, %arg13: memref<!tpu.dma_semaphore, #tpu.memory_space<semaphore_mem>>, %arg14: memref<!tpu.dma_semaphore, #tpu.memory_space<semaphore_mem>>, %arg15: memref<!tpu.dma_semaphore, #tpu.memory_space<semaphore_mem>>, %arg16: memref<!tpu.dma_semaphore, #tpu.memory_space<semaphore_mem>>) attributes {dimension_semantics = [#tpu.dimension_semantics<core_parallel>, #tpu.dimension_semantics<subcore_parallel>], iteration_bounds = array<i64: 2, 16>, scalar_prefetch = 0 : i64, scratch_operands = 12 : i64, tpu.core_type = #tpu.core_type<sc_vector_subcore>, window_params = [{transform_indices = #map}, {transform_indices = #map1}, {transform_indices = #map2}]} {
    %mul3A = arith.constant 16 : i32
    %mul3A_0 = arith.muli %arg0, %mul3A : i32
    %add3A = arith.addi %mul3A_0, %arg1 : i32
    %broadcast_in_dim3A = arith.constant 0.000000e+00 : f32
    %broadcast_in_dim3A_1 = vector.broadcast %broadcast_in_dim3A : f32 to vector<16xf32>
    %scan3A = arith.constant 0 : i32
    %scan3A_2 = arith.constant 0 : i32
    %scan3A_3 = arith.constant 128 : i32
    %scan3A_4 = arith.addi %scan3A_2, %scan3A_3 : i32
    %scan3A_5 = arith.constant 1 : i32
    scf.for %scan3A_221 = %scan3A_2 to %scan3A_4 step %scan3A_5  : i32 {
      %swap3A = arith.index_cast %scan3A_221 : i32 to index
      %swap3A_222 = arith.constant 0 : index
      %swap3A_223 = tpu.vector_load %arg7[%swap3A, %swap3A_222] {strides = array<i32>} : memref<128x128xf32, #tpu.memory_space<vmem>>, vector<1x16xf32>,
      %swap3A_224 = vector.shape_cast %swap3A_223 : vector<1x16xf32> to vector<16xf32>
      %swap3A_225 = vector.shape_cast %broadcast_in_dim3A_1 : vector<16xf32> to vector<1x16xf32>
      tpu.vector_store %arg7[%swap3A, %swap3A_222], %swap3A_225 {strides = array<i32>} : memref<128x128xf32, #tpu.memory_space<vmem>>, vector<1x16xf32>,
      %swap3A_226 = arith.index_cast %scan3A_221 : i32 to index
      %swap3A_227 = arith.constant 16 : index
      %swap3A_228 = tpu.vector_load %arg7[%swap3A_226, %swap3A_227] {strides = array<i32>} : memref<128x128xf32, #tpu.memory_space<vmem>>, vector<1x16xf32>,
      %swap3A_229 = vector.shape_cast %swap3A_228 : vector<1x16xf32> to vector<16xf32>
      %swap3A_230 = vector.shape_cast %broadcast_in_dim3A_1 : vector<16xf32> to vector<1x16xf32>
      tpu.vector_store %arg7[%swap3A_226, %swap3A_227], %swap3A_230 {strides = array<i32>} : memref<128x128xf32, #tpu.memory_space<vmem>>, vector<1x16xf32>,
      %swap3A_231 = arith.index_cast %scan3A_221 : i32 to index
      %swap3A_232 = arith.constant 32 : index
      %swap3A_233 = tpu.vector_load %arg7[%swap3A_231, %swap3A_232] {strides = array<i32>} : memref<128x128xf32, #tpu.memory_space<vmem>>, vector<1x16xf32>,
      %swap3A_234 = vector.shape_cast %swap3A_233 : vector<1x16xf32> to vector<16xf32>
      %swap3A_235 = vector.shape_cast %broadcast_in_dim3A_1 : vector<16xf32> to vector<1x16xf32>
      tpu.vector_store %arg7[%swap3A_231, %swap3A_232], %swap3A_235 {strides = array<i32>} : memref<128x128xf32, #tpu.memory_space<vmem>>, vector<1x16xf32>,
      %swap3A_236 = arith.index_cast %scan3A_221 : i32 to index
      %swap3A_237 = arith.constant 48 : index
      %swap3A_238 = tpu.vector_load %arg7[%swap3A_236, %swap3A_237] {strides = array<i32>} : memref<128x128xf32, #tpu.memory_space<vmem>>, vector<1x16xf32>,
      %swap3A_239 = vector.shape_cast %swap3A_238 : vector<1x16xf32> to vector<16xf32>
      %swap3A_240 = vector.shape_cast %broadcast_in_dim3A_1 : vector<16xf32> to vector<1x16xf32>
      tpu.vector_store %arg7[%swap3A_236, %swap3A_237], %swap3A_240 {strides = array<i32>} : memref<128x128xf32, #tpu.memory_space<vmem>>, vector<1x16xf32>,
      %swap3A_241 = arith.index_cast %scan3A_221 : i32 to index
      %swap3A_242 = arith.constant 64 : index
      %swap3A_243 = tpu.vector_load %arg7[%swap3A_241, %swap3A_242] {strides = array<i32>} : memref<128x128xf32, #tpu.memory_space<vmem>>, vector<1x16xf32>,
      %swap3A_244 = vector.shape_cast %swap3A_243 : vector<1x16xf32> to vector<16xf32>
      %swap3A_245 = vector.shape_cast %broadcast_in_dim3A_1 : vector<16xf32> to vector<1x16xf32>
      tpu.vector_store %arg7[%swap3A_241, %swap3A_242], %swap3A_245 {strides = array<i32>} : memref<128x128xf32, #tpu.memory_space<vmem>>, vector<1x16xf32>,
      %swap3A_246 = arith.index_cast %scan3A_221 : i32 to index
      %swap3A_247 = arith.constant 80 : index
      %swap3A_248 = tpu.vector_load %arg7[%swap3A_246, %swap3A_247] {strides = array<i32>} : memref<128x128xf32, #tpu.memory_space<vmem>>, vector<1x16xf32>,
      %swap3A_249 = vector.shape_cast %swap3A_248 : vector<1x16xf32> to vector<16xf32>
      %swap3A_250 = vector.shape_cast %broadcast_in_dim3A_1 : vector<16xf32> to vector<1x16xf32>
      tpu.vector_store %arg7[%swap3A_246, %swap3A_247], %swap3A_250 {strides = array<i32>} : memref<128x128xf32, #tpu.memory_space<vmem>>, vector<1x16xf32>,
      %swap3A_251 = arith.index_cast %scan3A_221 : i32 to index
      %swap3A_252 = arith.constant 96 : index
      %swap3A_253 = tpu.vector_load %arg7[%swap3A_251, %swap3A_252] {strides = array<i32>} : memref<128x128xf32, #tpu.memory_space<vmem>>, vector<1x16xf32>,
      %swap3A_254 = vector.shape_cast %swap3A_253 : vector<1x16xf32> to vector<16xf32>
      %swap3A_255 = vector.shape_cast %broadcast_in_dim3A_1 : vector<16xf32> to vector<1x16xf32>
      tpu.vector_store %arg7[%swap3A_251, %swap3A_252], %swap3A_255 {strides = array<i32>} : memref<128x128xf32, #tpu.memory_space<vmem>>, vector<1x16xf32>,
      %swap3A_256 = arith.index_cast %scan3A_221 : i32 to index
      %swap3A_257 = arith.constant 112 : index
      %swap3A_258 = tpu.vector_load %arg7[%swap3A_256, %swap3A_257] {strides = array<i32>} : memref<128x128xf32, #tpu.memory_space<vmem>>, vector<1x16xf32>,
      %swap3A_259 = vector.shape_cast %swap3A_258 : vector<1x16xf32> to vector<16xf32>
      %swap3A_260 = vector.shape_cast %broadcast_in_dim3A_1 : vector<16xf32> to vector<1x16xf32>
      tpu.vector_store %arg7[%swap3A_256, %swap3A_257], %swap3A_260 {strides = array<i32>} : memref<128x128xf32, #tpu.memory_space<vmem>>, vector<1x16xf32>,
    }
    %scan3A_6 = arith.constant 128 : i32
    %mul3A_7 = arith.constant 632 : i32
    %mul3A_8 = arith.muli %arg1, %mul3A_7 : i32
    %add3A_9 = arith.constant 0 : i32
    %add3A_10 = arith.addi %mul3A_8, %add3A_9 : i32
    "tpu.region"() ({
      %run_scoped3A_221 = tpu.sem_alloc : memref<!tpu.dma_semaphore, #tpu.memory_space<semaphore_mem>>
      %dma_start3A_222 = arith.constant 0 : i32
      %dma_start3A_223 = tpu.memref_slice %arg8[%add3A_10, %dma_start3A_222] : memref<10112x128xf32, #tpu.memory_space<vmem_shared>> -> memref<128x128xf32, #tpu.memory_space<vmem_shared>>
      %dma_start3A_224 = arith.constant 0 : i32
      %dma_start3A_225 = tpu.memref_slice %arg8[%add3A_10, %dma_start3A_224] : memref<10112x128xf32, #tpu.memory_space<vmem_shared>> -> memref<128x128xf32, #tpu.memory_space<vmem_shared>>
      tpu.enqueue_dma source(%arg7 : memref<128x128xf32, #tpu.memory_space<vmem>>) target(%dma_start3A_225 : memref<128x128xf32, #tpu.memory_space<vmem_shared>>) target_semaphore(%run_scoped3A_221 : memref<!tpu.dma_semaphore, #tpu.memory_space<semaphore_mem>>)
      %dma_wait3A_226 = arith.constant 0 : i32
      %dma_wait3A_227 = tpu.memref_slice %arg8[%add3A_10, %dma_wait3A_226] : memref<10112x128xf32, #tpu.memory_space<vmem_shared>> -> memref<128x128xf32, #tpu.memory_space<vmem_shared>>
      %dma_wait3A_228 = arith.constant 0 : i32
      %dma_wait3A_229 = tpu.memref_slice %arg8[%add3A_10, %dma_wait3A_228] : memref<10112x128xf32, #tpu.memory_space<vmem_shared>> -> memref<128x128xf32, #tpu.memory_space<vmem_shared>>
      tpu.wait_dma2 semaphore(%run_scoped3A_221 : memref<!tpu.dma_semaphore, #tpu.memory_space<semaphore_mem>>) src(%arg7 : memref<128x128xf32, #tpu.memory_space<vmem>>) dst(%dma_wait3A_229 : memref<128x128xf32, #tpu.memory_space<vmem_shared>>)
      tpu.yield
    }) : () -> ()
    %mul3A_11 = arith.constant 632 : i32
    %mul3A_12 = arith.muli %arg1, %mul3A_11 : i32
    %add3A_13 = arith.constant 128 : i32
    %add3A_14 = arith.addi %mul3A_12, %add3A_13 : i32
    "tpu.region"() ({
      %run_scoped3A_221 = tpu.sem_alloc : memref<!tpu.dma_semaphore, #tpu.memory_space<semaphore_mem>>
      %dma_start3A_222 = arith.constant 0 : i32
      %dma_start3A_223 = tpu.memref_slice %arg8[%add3A_14, %dma_start3A_222] : memref<10112x128xf32, #tpu.memory_space<vmem_shared>> -> memref<128x128xf32, #tpu.memory_space<vmem_shared>>
      %dma_start3A_224 = arith.constant 0 : i32
      %dma_start3A_225 = tpu.memref_slice %arg8[%add3A_14, %dma_start3A_224] : memref<10112x128xf32, #tpu.memory_space<vmem_shared>> -> memref<128x128xf32, #tpu.memory_space<vmem_shared>>
      tpu.enqueue_dma source(%arg7 : memref<128x128xf32, #tpu.memory_space<vmem>>) target(%dma_start3A_225 : memref<128x128xf32, #tpu.memory_space<vmem_shared>>) target_semaphore(%run_scoped3A_221 : memref<!tpu.dma_semaphore, #tpu.memory_space<semaphore_mem>>)
      %dma_wait3A_226 = arith.constant 0 : i32
      %dma_wait3A_227 = tpu.memref_slice %arg8[%add3A_14, %dma_wait3A_226] : memref<10112x128xf32, #tpu.memory_space<vmem_shared>> -> memref<128x128xf32, #tpu.memory_space<vmem_shared>>
      %dma_wait3A_228 = arith.constant 0 : i32
      %dma_wait3A_229 = tpu.memref_slice %arg8[%add3A_14, %dma_wait3A_228] : memref<10112x128xf32, #tpu.memory_space<vmem_shared>> -> memref<128x128xf32, #tpu.memory_space<vmem_shared>>
      tpu.wait_dma2 semaphore(%run_scoped3A_221 : memref<!tpu.dma_semaphore, #tpu.memory_space<semaphore_mem>>) src(%arg7 : memref<128x128xf32, #tpu.memory_space<vmem>>) dst(%dma_wait3A_229 : memref<128x128xf32, #tpu.memory_space<vmem_shared>>)
      tpu.yield
    }) : () -> ()
    %mul3A_15 = arith.constant 632 : i32
    %mul3A_16 = arith.muli %arg1, %mul3A_15 : i32
    %add3A_17 = arith.constant 256 : i32
    %add3A_18 = arith.addi %mul3A_16, %add3A_17 : i32
    "tpu.region"() ({
      %run_scoped3A_221 = tpu.sem_alloc : memref<!tpu.dma_semaphore, #tpu.memory_space<semaphore_mem>>
      %dma_start3A_222 = arith.constant 0 : i32
      %dma_start3A_223 = tpu.memref_slice %arg8[%add3A_18, %dma_start3A_222] : memref<10112x128xf32, #tpu.memory_space<vmem_shared>> -> memref<128x128xf32, #tpu.memory_space<vmem_shared>>
      %dma_start3A_224 = arith.constant 0 : i32
      %dma_start3A_225 = tpu.memref_slice %arg8[%add3A_18, %dma_start3A_224] : memref<10112x128xf32, #tpu.memory_space<vmem_shared>> -> memref<128x128xf32, #tpu.memory_space<vmem_shared>>
      tpu.enqueue_dma source(%arg7 : memref<128x128xf32, #tpu.memory_space<vmem>>) target(%dma_start3A_225 : memref<128x128xf32, #tpu.memory_space<vmem_shared>>) target_semaphore(%run_scoped3A_221 : memref<!tpu.dma_semaphore, #tpu.memory_space<semaphore_mem>>)
      %dma_wait3A_226 = arith.constant 0 : i32
      %dma_wait3A_227 = tpu.memref_slice %arg8[%add3A_18, %dma_wait3A_226] : memref<10112x128xf32, #tpu.memory_space<vmem_shared>> -> memref<128x128xf32, #tpu.memory_space<vmem_shared>>
      %dma_wait3A_228 = arith.constant 0 : i32
      %dma_wait3A_229 = tpu.memref_slice %arg8[%add3A_18, %dma_wait3A_228] : memref<10112x128xf32, #tpu.memory_space<vmem_shared>> -> memref<128x128xf32, #tpu.memory_space<vmem_shared>>
      tpu.wait_dma2 semaphore(%run_scoped3A_221 : memref<!tpu.dma_semaphore, #tpu.memory_space<semaphore_mem>>) src(%arg7 : memref<128x128xf32, #tpu.memory_space<vmem>>) dst(%dma_wait3A_229 : memref<128x128xf32, #tpu.memory_space<vmem_shared>>)
      tpu.yield
    }) : () -> ()
    %mul3A_19 = arith.constant 632 : i32
    %mul3A_20 = arith.muli %arg1, %mul3A_19 : i32
    %add3A_21 = arith.constant 384 : i32
    %add3A_22 = arith.addi %mul3A_20, %add3A_21 : i32
    "tpu.region"() ({
      %run_scoped3A_221 = tpu.sem_alloc : memref<!tpu.dma_semaphore, #tpu.memory_space<semaphore_mem>>
      %dma_start3A_222 = arith.constant 0 : i32
      %dma_start3A_223 = tpu.memref_slice %arg8[%add3A_22, %dma_start3A_222] : memref<10112x128xf32, #tpu.memory_space<vmem_shared>> -> memref<128x128xf32, #tpu.memory_space<vmem_shared>>
      %dma_start3A_224 = arith.constant 0 : i32
      %dma_start3A_225 = tpu.memref_slice %arg8[%add3A_22, %dma_start3A_224] : memref<10112x128xf32, #tpu.memory_space<vmem_shared>> -> memref<128x128xf32, #tpu.memory_space<vmem_shared>>
      tpu.enqueue_dma source(%arg7 : memref<128x128xf32, #tpu.memory_space<vmem>>) target(%dma_start3A_225 : memref<128x128xf32, #tpu.memory_space<vmem_shared>>) target_semaphore(%run_scoped3A_221 : memref<!tpu.dma_semaphore, #tpu.memory_space<semaphore_mem>>)
      %dma_wait3A_226 = arith.constant 0 : i32
      %dma_wait3A_227 = tpu.memref_slice %arg8[%add3A_22, %dma_wait3A_226] : memref<10112x128xf32, #tpu.memory_space<vmem_shared>> -> memref<128x128xf32, #tpu.memory_space<vmem_shared>>
      %dma_wait3A_228 = arith.constant 0 : i32
      %dma_wait3A_229 = tpu.memref_slice %arg8[%add3A_22, %dma_wait3A_228] : memref<10112x128xf32, #tpu.memory_space<vmem_shared>> -> memref<128x128xf32, #tpu.memory_space<vmem_shared>>
      tpu.wait_dma2 semaphore(%run_scoped3A_221 : memref<!tpu.dma_semaphore, #tpu.memory_space<semaphore_mem>>) src(%arg7 : memref<128x128xf32, #tpu.memory_space<vmem>>) dst(%dma_wait3A_229 : memref<128x128xf32, #tpu.memory_space<vmem_shared>>)
      tpu.yield
    }) : () -> ()
    %mul3A_23 = arith.constant 632 : i32
    %mul3A_24 = arith.muli %arg1, %mul3A_23 : i32
    %add3A_25 = arith.constant 512 : i32
    %add3A_26 = arith.addi %mul3A_24, %add3A_25 : i32
    "tpu.region"() ({
      %run_scoped3A_221 = tpu.sem_alloc : memref<!tpu.dma_semaphore, #tpu.memory_space<semaphore_mem>>
      %dma_start3A_222 = arith.constant 0 : i32
      %dma_start3A_223 = arith.constant 0 : i32
      %dma_start3A_224 = tpu.memref_slice %arg7[%dma_start3A_222, %dma_start3A_223] : memref<128x128xf32, #tpu.memory_space<vmem>> -> memref<120x128xf32, #tpu.memory_space<vmem>>
      %dma_start3A_225 = arith.constant 0 : i32
      %dma_start3A_226 = tpu.memref_slice %arg8[%add3A_26, %dma_start3A_225] : memref<10112x128xf32, #tpu.memory_space<vmem_shared>> -> memref<120x128xf32, #tpu.memory_space<vmem_shared>>
      %dma_start3A_227 = arith.constant 0 : i32
      %dma_start3A_228 = tpu.memref_slice %arg8[%add3A_26, %dma_start3A_227] : memref<10112x128xf32, #tpu.memory_space<vmem_shared>> -> memref<120x128xf32, #tpu.memory_space<vmem_shared>>
      %dma_start3A_229 = arith.constant 0 : i32
      %dma_start3A_230 = arith.constant 0 : i32
      %dma_start3A_231 = tpu.memref_slice %arg7[%dma_start3A_229, %dma_start3A_230] : memref<128x128xf32, #tpu.memory_space<vmem>> -> memref<120x128xf32, #tpu.memory_space<vmem>>
      tpu.enqueue_dma source(%dma_start3A_231 : memref<120x128xf32, #tpu.memory_space<vmem>>) target(%dma_start3A_228 : memref<120x128xf32, #tpu.memory_space<vmem_shared>>) target_semaphore(%run_scoped3A_221 : memref<!tpu.dma_semaphore, #tpu.memory_space<semaphore_mem>>)
      %dma_wait3A_232 = arith.constant 0 : i32
      %dma_wait3A_233 = arith.constant 0 : i32
      %dma_wait3A_234 = tpu.memref_slice %arg7[%dma_wait3A_232, %dma_wait3A_233] : memref<128x128xf32, #tpu.memory_space<vmem>> -> memref<120x128xf32, #tpu.memory_space<vmem>>
      %dma_wait3A_235 = arith.constant 0 : i32
      %dma_wait3A_236 = tpu.memref_slice %arg8[%add3A_26, %dma_wait3A_235] : memref<10112x128xf32, #tpu.memory_space<vmem_shared>> -> memref<120x128xf32, #tpu.memory_space<vmem_shared>>
      %dma_wait3A_237 = arith.constant 0 : i32
      %dma_wait3A_238 = tpu.memref_slice %arg8[%add3A_26, %dma_wait3A_237] : memref<10112x128xf32, #tpu.memory_space<vmem_shared>> -> memref<120x128xf32, #tpu.memory_space<vmem_shared>>
      %dma_wait3A_239 = arith.constant 0 : i32
      %dma_wait3A_240 = arith.constant 0 : i32
      %dma_wait3A_241 = tpu.memref_slice %arg7[%dma_wait3A_239, %dma_wait3A_240] : memref<128x128xf32, #tpu.memory_space<vmem>> -> memref<120x128xf32, #tpu.memory_space<vmem>>
      tpu.wait_dma2 semaphore(%run_scoped3A_221 : memref<!tpu.dma_semaphore, #tpu.memory_space<semaphore_mem>>) src(%dma_wait3A_241 : memref<120x128xf32, #tpu.memory_space<vmem>>) dst(%dma_wait3A_238 : memref<120x128xf32, #tpu.memory_space<vmem_shared>>)
      tpu.yield
    }) : () -> ()
    "tpu.region"() ({
      %run_scoped3A_221 = tpu.sem_alloc : memref<!tpu.dma_semaphore, #tpu.memory_space<semaphore_mem>>
      %dma_start3A_222 = arith.constant 0 : i32
      %dma_start3A_223 = arith.constant 0 : i32
      %dma_start3A_224 = arith.constant 0 : i32
      %dma_start3A_225 = tpu.memref_slice %arg3[%add3A, %dma_start3A_222, %dma_start3A_223, %dma_start3A_224] : memref<32x82x2x128xi32, #tpu.memory_space<hbm>> -> memref<1x41x2x128xi32, #tpu.memory_space<hbm>>
      %dma_start3A_226 = tpu.memref_squeeze %dma_start3A_225 : memref<1x41x2x128xi32, #tpu.memory_space<hbm>> -> memref<41x2x128xi32, #tpu.memory_space<hbm>>
      %dma_start3A_227 = arith.constant 0 : i32
      %dma_start3A_228 = arith.constant 0 : i32
      %dma_start3A_229 = arith.constant 0 : i32
      %dma_start3A_230 = tpu.memref_slice %arg3[%add3A, %dma_start3A_227, %dma_start3A_228, %dma_start3A_229] : memref<32x82x2x128xi32, #tpu.memory_space<hbm>> -> memref<1x41x2x128xi32, #tpu.memory_space<hbm>>
      %dma_start3A_231 = tpu.memref_squeeze %dma_start3A_230 : memref<1x41x2x128xi32, #tpu.memory_space<hbm>> -> memref<41x2x128xi32, #tpu.memory_space<hbm>>
      tpu.enqueue_dma source(%dma_start3A_231 : memref<41x2x128xi32, #tpu.memory_space<hbm>>) target(%arg5 : memref<41x2x128xi32, #tpu.memory_space<vmem>>) target_semaphore(%run_scoped3A_221 : memref<!tpu.dma_semaphore, #tpu.memory_space<semaphore_mem>>)
      %dma_wait3A_232 = arith.constant 0 : i32
      %dma_wait3A_233 = arith.constant 0 : i32
      %dma_wait3A_234 = arith.constant 0 : i32
      %dma_wait3A_235 = tpu.memref_slice %arg3[%add3A, %dma_wait3A_232, %dma_wait3A_233, %dma_wait3A_234] : memref<32x82x2x128xi32, #tpu.memory_space<hbm>> -> memref<1x41x2x128xi32, #tpu.memory_space<hbm>>
      %dma_wait3A_236 = tpu.memref_squeeze %dma_wait3A_235 : memref<1x41x2x128xi32, #tpu.memory_space<hbm>> -> memref<41x2x128xi32, #tpu.memory_space<hbm>>
      %dma_wait3A_237 = arith.constant 0 : i32
      %dma_wait3A_238 = arith.constant 0 : i32
      %dma_wait3A_239 = arith.constant 0 : i32
      %dma_wait3A_240 = tpu.memref_slice %arg3[%add3A, %dma_wait3A_237, %dma_wait3A_238, %dma_wait3A_239] : memref<32x82x2x128xi32, #tpu.memory_space<hbm>> -> memref<1x41x2x128xi32, #tpu.memory_space<hbm>>
      %dma_wait3A_241 = tpu.memref_squeeze %dma_wait3A_240 : memref<1x41x2x128xi32, #tpu.memory_space<hbm>> -> memref<41x2x128xi32, #tpu.memory_space<hbm>>
      tpu.wait_dma2 semaphore(%run_scoped3A_221 : memref<!tpu.dma_semaphore, #tpu.memory_space<semaphore_mem>>) src(%dma_wait3A_241 : memref<41x2x128xi32, #tpu.memory_space<hbm>>) dst(%arg5 : memref<41x2x128xi32, #tpu.memory_space<vmem>>)
      tpu.yield
    }) : () -> ()
    %dma_start3A = arith.constant 0 : i32
    %dma_start3A_27 = arith.constant 0 : i32
    %dma_start3A_28 = arith.constant 0 : i32
    %dma_start3A_29 = arith.constant 0 : i32
    %dma_start3A_30 = tpu.memref_slice %arg6[%dma_start3A_28, %dma_start3A_29] : memref<128x128xf32, #tpu.memory_space<vmem>> -> memref<32x128xf32, #tpu.memory_space<vmem>>
    %dma_start3A_31 = arith.constant 0 : i32
    %dma_start3A_32 = tpu.memref_slice %arg5[%dma_start3A, %dma_start3A_27, %dma_start3A_31] : memref<41x2x128xi32, #tpu.memory_space<vmem>> -> memref<1x1x32xi32, #tpu.memory_space<vmem>>
    %dma_start3A_33 = tpu.memref_squeeze %dma_start3A_32 : memref<1x1x32xi32, #tpu.memory_space<vmem>> -> memref<32xi32, #tpu.memory_space<vmem>>
    %dma_start3A_34 = arith.constant 0 : i32
    %dma_start3A_35 = arith.constant 0 : i32
    %dma_start3A_36 = tpu.memref_slice %arg2[%dma_start3A_34, %dma_start3A_35] : memref<10000x128xf32, #tpu.memory_space<hbm>> -> memref<10000x128xf32, #tpu.memory_space<hbm>>
    tpu.enqueue_indirect_dma source(%dma_start3A_36 : memref<10000x128xf32, #tpu.memory_space<hbm>>) target(%dma_start3A_30 : memref<32x128xf32, #tpu.memory_space<vmem>>) offsets(%dma_start3A_33 : memref<32xi32, #tpu.memory_space<vmem>>) semaphore(%arg9 : memref<!tpu.dma_semaphore, #tpu.memory_space<semaphore_mem>>)
    %dma_start3A_37 = arith.constant 0 : i32
    %dma_start3A_38 = arith.constant 0 : i32
    %dma_start3A_39 = arith.constant 32 : i32
    %dma_start3A_40 = arith.constant 0 : i32
    %dma_start3A_41 = tpu.memref_slice %arg6[%dma_start3A_39, %dma_start3A_40] : memref<128x128xf32, #tpu.memory_space<vmem>> -> memref<32x128xf32, #tpu.memory_space<vmem>>
    %dma_start3A_42 = arith.constant 32 : i32
    %dma_start3A_43 = tpu.memref_slice %arg5[%dma_start3A_37, %dma_start3A_38, %dma_start3A_42] : memref<41x2x128xi32, #tpu.memory_space<vmem>> -> memref<1x1x32xi32, #tpu.memory_space<vmem>>
    %dma_start3A_44 = tpu.memref_squeeze %dma_start3A_43 : memref<1x1x32xi32, #tpu.memory_space<vmem>> -> memref<32xi32, #tpu.memory_space<vmem>>
    %dma_start3A_45 = arith.constant 0 : i32
    %dma_start3A_46 = arith.constant 0 : i32
    %dma_start3A_47 = tpu.memref_slice %arg2[%dma_start3A_45, %dma_start3A_46] : memref<10000x128xf32, #tpu.memory_space<hbm>> -> memref<10000x128xf32, #tpu.memory_space<hbm>>
    tpu.enqueue_indirect_dma source(%dma_start3A_47 : memref<10000x128xf32, #tpu.memory_space<hbm>>) target(%dma_start3A_41 : memref<32x128xf32, #tpu.memory_space<vmem>>) offsets(%dma_start3A_44 : memref<32xi32, #tpu.memory_space<vmem>>) semaphore(%arg10 : memref<!tpu.dma_semaphore, #tpu.memory_space<semaphore_mem>>)
    %dma_start3A_48 = arith.constant 0 : i32
    %dma_start3A_49 = arith.constant 0 : i32
    %dma_start3A_50 = arith.constant 64 : i32
    %dma_start3A_51 = arith.constant 0 : i32
    %dma_start3A_52 = tpu.memref_slice %arg6[%dma_start3A_50, %dma_start3A_51] : memref<128x128xf32, #tpu.memory_space<vmem>> -> memref<32x128xf32, #tpu.memory_space<vmem>>
    %dma_start3A_53 = arith.constant 64 : i32
    %dma_start3A_54 = tpu.memref_slice %arg5[%dma_start3A_48, %dma_start3A_49, %dma_start3A_53] : memref<41x2x128xi32, #tpu.memory_space<vmem>> -> memref<1x1x32xi32, #tpu.memory_space<vmem>>
    %dma_start3A_55 = tpu.memref_squeeze %dma_start3A_54 : memref<1x1x32xi32, #tpu.memory_space<vmem>> -> memref<32xi32, #tpu.memory_space<vmem>>
    %dma_start3A_56 = arith.constant 0 : i32
    %dma_start3A_57 = arith.constant 0 : i32
    %dma_start3A_58 = tpu.memref_slice %arg2[%dma_start3A_56, %dma_start3A_57] : memref<10000x128xf32, #tpu.memory_space<hbm>> -> memref<10000x128xf32, #tpu.memory_space<hbm>>
    tpu.enqueue_indirect_dma source(%dma_start3A_58 : memref<10000x128xf32, #tpu.memory_space<hbm>>) target(%dma_start3A_52 : memref<32x128xf32, #tpu.memory_space<vmem>>) offsets(%dma_start3A_55 : memref<32xi32, #tpu.memory_space<vmem>>) semaphore(%arg11 : memref<!tpu.dma_semaphore, #tpu.memory_space<semaphore_mem>>)
    %dma_start3A_59 = arith.constant 0 : i32
    %dma_start3A_60 = arith.constant 0 : i32
    %dma_start3A_61 = arith.constant 96 : i32
    %dma_start3A_62 = arith.constant 0 : i32
    %dma_start3A_63 = tpu.memref_slice %arg6[%dma_start3A_61, %dma_start3A_62] : memref<128x128xf32, #tpu.memory_space<vmem>> -> memref<32x128xf32, #tpu.memory_space<vmem>>
    %dma_start3A_64 = arith.constant 96 : i32
    %dma_start3A_65 = tpu.memref_slice %arg5[%dma_start3A_59, %dma_start3A_60, %dma_start3A_64] : memref<41x2x128xi32, #tpu.memory_space<vmem>> -> memref<1x1x32xi32, #tpu.memory_space<vmem>>
    %dma_start3A_66 = tpu.memref_squeeze %dma_start3A_65 : memref<1x1x32xi32, #tpu.memory_space<vmem>> -> memref<32xi32, #tpu.memory_space<vmem>>
    %dma_start3A_67 = arith.constant 0 : i32
    %dma_start3A_68 = arith.constant 0 : i32
    %dma_start3A_69 = tpu.memref_slice %arg2[%dma_start3A_67, %dma_start3A_68] : memref<10000x128xf32, #tpu.memory_space<hbm>> -> memref<10000x128xf32, #tpu.memory_space<hbm>>
    tpu.enqueue_indirect_dma source(%dma_start3A_69 : memref<10000x128xf32, #tpu.memory_space<hbm>>) target(%dma_start3A_63 : memref<32x128xf32, #tpu.memory_space<vmem>>) offsets(%dma_start3A_66 : memref<32xi32, #tpu.memory_space<vmem>>) semaphore(%arg12 : memref<!tpu.dma_semaphore, #tpu.memory_space<semaphore_mem>>)
    %barrier3A = arith.constant 0 : index
    tpu.barrier barrier_id(%barrier3A)
    %scan3A_70 = arith.constant 0 : i32
    %scan3A_71 = arith.constant 0 : i32
    %scan3A_72 = arith.constant 20 : i32
    %scan3A_73 = arith.addi %scan3A_71, %scan3A_72 : i32
    %scan3A_74 = arith.constant 1 : i32
    scf.for %scan3A_221 = %scan3A_71 to %scan3A_73 step %scan3A_74  : i32 {
      %mul3A_222 = arith.constant 2 : i32
      %mul3A_223 = arith.muli %scan3A_221, %mul3A_222 : i32
      %add3A_224 = arith.constant 0 : i32
      %add3A_225 = arith.addi %mul3A_223, %add3A_224 : i32
      %add3A_226 = arith.constant 1 : i32
      %add3A_227 = arith.addi %add3A_225, %add3A_226 : i32
      %dma_start3A_228 = arith.constant 0 : i32
      %dma_start3A_229 = arith.constant 0 : i32
      %dma_start3A_230 = arith.constant 0 : i32
      %dma_start3A_231 = tpu.memref_slice %arg7[%dma_start3A_229, %dma_start3A_230] : memref<128x128xf32, #tpu.memory_space<vmem>> -> memref<32x128xf32, #tpu.memory_space<vmem>>
      %dma_start3A_232 = arith.constant 0 : i32
      %dma_start3A_233 = tpu.memref_slice %arg5[%add3A_227, %dma_start3A_228, %dma_start3A_232] : memref<41x2x128xi32, #tpu.memory_space<vmem>> -> memref<1x1x32xi32, #tpu.memory_space<vmem>>
      %dma_start3A_234 = tpu.memref_squeeze %dma_start3A_233 : memref<1x1x32xi32, #tpu.memory_space<vmem>> -> memref<32xi32, #tpu.memory_space<vmem>>
      %dma_start3A_235 = arith.constant 0 : i32
      %dma_start3A_236 = arith.constant 0 : i32
      %dma_start3A_237 = tpu.memref_slice %arg2[%dma_start3A_235, %dma_start3A_236] : memref<10000x128xf32, #tpu.memory_space<hbm>> -> memref<10000x128xf32, #tpu.memory_space<hbm>>
      tpu.enqueue_indirect_dma source(%dma_start3A_237 : memref<10000x128xf32, #tpu.memory_space<hbm>>) target(%dma_start3A_231 : memref<32x128xf32, #tpu.memory_space<vmem>>) offsets(%dma_start3A_234 : memref<32xi32, #tpu.memory_space<vmem>>) semaphore(%arg13 : memref<!tpu.dma_semaphore, #tpu.memory_space<semaphore_mem>>)
      %dma_start3A_238 = arith.constant 0 : i32
      %dma_start3A_239 = arith.constant 32 : i32
      %dma_start3A_240 = arith.constant 0 : i32
      %dma_start3A_241 = tpu.memref_slice %arg7[%dma_start3A_239, %dma_start3A_240] : memref<128x128xf32, #tpu.memory_space<vmem>> -> memref<32x128xf32, #tpu.memory_space<vmem>>
      %dma_start3A_242 = arith.constant 32 : i32
      %dma_start3A_243 = tpu.memref_slice %arg5[%add3A_227, %dma_start3A_238, %dma_start3A_242] : memref<41x2x128xi32, #tpu.memory_space<vmem>> -> memref<1x1x32xi32, #tpu.memory_space<vmem>>
      %dma_start3A_244 = tpu.memref_squeeze %dma_start3A_243 : memref<1x1x32xi32, #tpu.memory_space<vmem>> -> memref<32xi32, #tpu.memory_space<vmem>>
      %dma_start3A_245 = arith.constant 0 : i32
      %dma_start3A_246 = arith.constant 0 : i32
      %dma_start3A_247 = tpu.memref_slice %arg2[%dma_start3A_245, %dma_start3A_246] : memref<10000x128xf32, #tpu.memory_space<hbm>> -> memref<10000x128xf32, #tpu.memory_space<hbm>>
      tpu.enqueue_indirect_dma source(%dma_start3A_247 : memref<10000x128xf32, #tpu.memory_space<hbm>>) target(%dma_start3A_241 : memref<32x128xf32, #tpu.memory_space<vmem>>) offsets(%dma_start3A_244 : memref<32xi32, #tpu.memory_space<vmem>>) semaphore(%arg14 : memref<!tpu.dma_semaphore, #tpu.memory_space<semaphore_mem>>)
      %dma_start3A_248 = arith.constant 0 : i32
      %dma_start3A_249 = arith.constant 64 : i32
      %dma_start3A_250 = arith.constant 0 : i32
      %dma_start3A_251 = tpu.memref_slice %arg7[%dma_start3A_249, %dma_start3A_250] : memref<128x128xf32, #tpu.memory_space<vmem>> -> memref<32x128xf32, #tpu.memory_space<vmem>>
      %dma_start3A_252 = arith.constant 64 : i32
      %dma_start3A_253 = tpu.memref_slice %arg5[%add3A_227, %dma_start3A_248, %dma_start3A_252] : memref<41x2x128xi32, #tpu.memory_space<vmem>> -> memref<1x1x32xi32, #tpu.memory_space<vmem>>
      %dma_start3A_254 = tpu.memref_squeeze %dma_start3A_253 : memref<1x1x32xi32, #tpu.memory_space<vmem>> -> memref<32xi32, #tpu.memory_space<vmem>>
      %dma_start3A_255 = arith.constant 0 : i32
      %dma_start3A_256 = arith.constant 0 : i32
      %dma_start3A_257 = tpu.memref_slice %arg2[%dma_start3A_255, %dma_start3A_256] : memref<10000x128xf32, #tpu.memory_space<hbm>> -> memref<10000x128xf32, #tpu.memory_space<hbm>>
      tpu.enqueue_indirect_dma source(%dma_start3A_257 : memref<10000x128xf32, #tpu.memory_space<hbm>>) target(%dma_start3A_251 : memref<32x128xf32, #tpu.memory_space<vmem>>) offsets(%dma_start3A_254 : memref<32xi32, #tpu.memory_space<vmem>>) semaphore(%arg15 : memref<!tpu.dma_semaphore, #tpu.memory_space<semaphore_mem>>)
      %dma_start3A_258 = arith.constant 0 : i32
      %dma_start3A_259 = arith.constant 96 : i32
      %dma_start3A_260 = arith.constant 0 : i32
      %dma_start3A_261 = tpu.memref_slice %arg7[%dma_start3A_259, %dma_start3A_260] : memref<128x128xf32, #tpu.memory_space<vmem>> -> memref<32x128xf32, #tpu.memory_space<vmem>>
      %dma_start3A_262 = arith.constant 96 : i32
      %dma_start3A_263 = tpu.memref_slice %arg5[%add3A_227, %dma_start3A_258, %dma_start3A_262] : memref<41x2x128xi32, #tpu.memory_space<vmem>> -> memref<1x1x32xi32, #tpu.memory_space<vmem>>
      %dma_start3A_264 = tpu.memref_squeeze %dma_start3A_263 : memref<1x1x32xi32, #tpu.memory_space<vmem>> -> memref<32xi32, #tpu.memory_space<vmem>>
      %dma_start3A_265 = arith.constant 0 : i32
      %dma_start3A_266 = arith.constant 0 : i32
      %dma_start3A_267 = tpu.memref_slice %arg2[%dma_start3A_265, %dma_start3A_266] : memref<10000x128xf32, #tpu.memory_space<hbm>> -> memref<10000x128xf32, #tpu.memory_space<hbm>>
      tpu.enqueue_indirect_dma source(%dma_start3A_267 : memref<10000x128xf32, #tpu.memory_space<hbm>>) target(%dma_start3A_261 : memref<32x128xf32, #tpu.memory_space<vmem>>) offsets(%dma_start3A_264 : memref<32xi32, #tpu.memory_space<vmem>>) semaphore(%arg16 : memref<!tpu.dma_semaphore, #tpu.memory_space<semaphore_mem>>)
      %dma_wait3A_268 = arith.constant 0 : i32
      %dma_wait3A_269 = arith.constant 0 : i32
      %dma_wait3A_270 = arith.constant 0 : i32
      %dma_wait3A_271 = tpu.memref_slice %arg6[%dma_wait3A_269, %dma_wait3A_270] : memref<128x128xf32, #tpu.memory_space<vmem>> -> memref<32x128xf32, #tpu.memory_space<vmem>>
      %dma_wait3A_272 = arith.constant 0 : i32
      %dma_wait3A_273 = tpu.memref_slice %arg5[%add3A_225, %dma_wait3A_268, %dma_wait3A_272] : memref<41x2x128xi32, #tpu.memory_space<vmem>> -> memref<1x1x32xi32, #tpu.memory_space<vmem>>
      %dma_wait3A_274 = tpu.memref_squeeze %dma_wait3A_273 : memref<1x1x32xi32, #tpu.memory_space<vmem>> -> memref<32xi32, #tpu.memory_space<vmem>>
      %dma_wait3A_275 = arith.constant 0 : i32
      %dma_wait3A_276 = arith.constant 0 : i32
      %dma_wait3A_277 = tpu.memref_slice %arg2[%dma_wait3A_275, %dma_wait3A_276] : memref<10000x128xf32, #tpu.memory_space<hbm>> -> memref<10000x128xf32, #tpu.memory_space<hbm>>
      tpu.wait_indirect_dma semaphore(%arg9 : memref<!tpu.dma_semaphore, #tpu.memory_space<semaphore_mem>>) src(%dma_wait3A_277 : memref<10000x128xf32, #tpu.memory_space<hbm>>) dst(%dma_wait3A_271 : memref<32x128xf32, #tpu.memory_space<vmem>>)
      %dma_wait3A_278 = arith.constant 0 : i32
      %dma_wait3A_279 = arith.constant 32 : i32
      %dma_wait3A_280 = arith.constant 0 : i32
      %dma_wait3A_281 = tpu.memref_slice %arg6[%dma_wait3A_279, %dma_wait3A_280] : memref<128x128xf32, #tpu.memory_space<vmem>> -> memref<32x128xf32, #tpu.memory_space<vmem>>
      %dma_wait3A_282 = arith.constant 32 : i32
      %dma_wait3A_283 = tpu.memref_slice %arg5[%add3A_225, %dma_wait3A_278, %dma_wait3A_282] : memref<41x2x128xi32, #tpu.memory_space<vmem>> -> memref<1x1x32xi32, #tpu.memory_space<vmem>>
      %dma_wait3A_284 = tpu.memref_squeeze %dma_wait3A_283 : memref<1x1x32xi32, #tpu.memory_space<vmem>> -> memref<32xi32, #tpu.memory_space<vmem>>
      %dma_wait3A_285 = arith.constant 0 : i32
      %dma_wait3A_286 = arith.constant 0 : i32
      %dma_wait3A_287 = tpu.memref_slice %arg2[%dma_wait3A_285, %dma_wait3A_286] : memref<10000x128xf32, #tpu.memory_space<hbm>> -> memref<10000x128xf32, #tpu.memory_space<hbm>>
      tpu.wait_indirect_dma semaphore(%arg10 : memref<!tpu.dma_semaphore, #tpu.memory_space<semaphore_mem>>) src(%dma_wait3A_287 : memref<10000x128xf32, #tpu.memory_space<hbm>>) dst(%dma_wait3A_281 : memref<32x128xf32, #tpu.memory_space<vmem>>)
      %dma_wait3A_288 = arith.constant 0 : i32
      %dma_wait3A_289 = arith.constant 64 : i32
      %dma_wait3A_290 = arith.constant 0 : i32
      %dma_wait3A_291 = tpu.memref_slice %arg6[%dma_wait3A_289, %dma_wait3A_290] : memref<128x128xf32, #tpu.memory_space<vmem>> -> memref<32x128xf32, #tpu.memory_space<vmem>>
      %dma_wait3A_292 = arith.constant 64 : i32
      %dma_wait3A_293 = tpu.memref_slice %arg5[%add3A_225, %dma_wait3A_288, %dma_wait3A_292] : memref<41x2x128xi32, #tpu.memory_space<vmem>> -> memref<1x1x32xi32, #tpu.memory_space<vmem>>
      %dma_wait3A_294 = tpu.memref_squeeze %dma_wait3A_293 : memref<1x1x32xi32, #tpu.memory_space<vmem>> -> memref<32xi32, #tpu.memory_space<vmem>>
      %dma_wait3A_295 = arith.constant 0 : i32
      %dma_wait3A_296 = arith.constant 0 : i32
      %dma_wait3A_297 = tpu.memref_slice %arg2[%dma_wait3A_295, %dma_wait3A_296] : memref<10000x128xf32, #tpu.memory_space<hbm>> -> memref<10000x128xf32, #tpu.memory_space<hbm>>
      tpu.wait_indirect_dma semaphore(%arg11 : memref<!tpu.dma_semaphore, #tpu.memory_space<semaphore_mem>>) src(%dma_wait3A_297 : memref<10000x128xf32, #tpu.memory_space<hbm>>) dst(%dma_wait3A_291 : memref<32x128xf32, #tpu.memory_space<vmem>>)
      %dma_wait3A_298 = arith.constant 0 : i32
      %dma_wait3A_299 = arith.constant 96 : i32
      %dma_wait3A_300 = arith.constant 0 : i32
      %dma_wait3A_301 = tpu.memref_slice %arg6[%dma_wait3A_299, %dma_wait3A_300] : memref<128x128xf32, #tpu.memory_space<vmem>> -> memref<32x128xf32, #tpu.memory_space<vmem>>
      %dma_wait3A_302 = arith.constant 96 : i32
      %dma_wait3A_303 = tpu.memref_slice %arg5[%add3A_225, %dma_wait3A_298, %dma_wait3A_302] : memref<41x2x128xi32, #tpu.memory_space<vmem>> -> memref<1x1x32xi32, #tpu.memory_space<vmem>>
      %dma_wait3A_304 = tpu.memref_squeeze %dma_wait3A_303 : memref<1x1x32xi32, #tpu.memory_space<vmem>> -> memref<32xi32, #tpu.memory_space<vmem>>
      %dma_wait3A_305 = arith.constant 0 : i32
      %dma_wait3A_306 = arith.constant 0 : i32
      %dma_wait3A_307 = tpu.memref_slice %arg2[%dma_wait3A_305, %dma_wait3A_306] : memref<10000x128xf32, #tpu.memory_space<hbm>> -> memref<10000x128xf32, #tpu.memory_space<hbm>>
      tpu.wait_indirect_dma semaphore(%arg12 : memref<!tpu.dma_semaphore, #tpu.memory_space<semaphore_mem>>) src(%dma_wait3A_307 : memref<10000x128xf32, #tpu.memory_space<hbm>>) dst(%dma_wait3A_301 : memref<32x128xf32, #tpu.memory_space<vmem>>)
      %run_scoped3A_308 = arith.constant 1 : i32
      "tpu.region"() ({
        %run_scoped3A_396 = tpu.sem_alloc : memref<!tpu.dma_semaphore, #tpu.memory_space<semaphore_mem>>
        %dma_start3A_397 = arith.constant 0 : i32
        %dma_start3A_398 = tpu.memref_slice %arg5[%add3A_225, %run_scoped3A_308, %dma_start3A_397] : memref<41x2x128xi32, #tpu.memory_space<vmem>> -> memref<1x1x128xi32, #tpu.memory_space<vmem>>
        %dma_start3A_399 = tpu.memref_squeeze %dma_start3A_398 : memref<1x1x128xi32, #tpu.memory_space<vmem>> -> memref<128xi32, #tpu.memory_space<vmem>>
        %dma_start3A_400 = arith.constant 0 : i32
        %dma_start3A_401 = arith.constant 0 : i32
        %dma_start3A_402 = tpu.memref_slice %arg8[%dma_start3A_400, %dma_start3A_401] : memref<10112x128xf32, #tpu.memory_space<vmem_shared>> -> memref<10112x128xf32, #tpu.memory_space<vmem_shared>>
        tpu.enqueue_indirect_dma source(%arg6 : memref<128x128xf32, #tpu.memory_space<vmem>>) target(%dma_start3A_402 : memref<10112x128xf32, #tpu.memory_space<vmem_shared>>) offsets(%dma_start3A_399 : memref<128xi32, #tpu.memory_space<vmem>>) semaphore(%run_scoped3A_396 : memref<!tpu.dma_semaphore, #tpu.memory_space<semaphore_mem>>) {add = true}
        %dma_wait3A_403 = arith.constant 0 : i32
        %dma_wait3A_404 = tpu.memref_slice %arg5[%add3A_225, %run_scoped3A_308, %dma_wait3A_403] : memref<41x2x128xi32, #tpu.memory_space<vmem>> -> memref<1x1x128xi32, #tpu.memory_space<vmem>>
        %dma_wait3A_405 = tpu.memref_squeeze %dma_wait3A_404 : memref<1x1x128xi32, #tpu.memory_space<vmem>> -> memref<128xi32, #tpu.memory_space<vmem>>
        %dma_wait3A_406 = arith.constant 0 : i32
        %dma_wait3A_407 = arith.constant 0 : i32
        %dma_wait3A_408 = tpu.memref_slice %arg8[%dma_wait3A_406, %dma_wait3A_407] : memref<10112x128xf32, #tpu.memory_space<vmem_shared>> -> memref<10112x128xf32, #tpu.memory_space<vmem_shared>>
        tpu.wait_indirect_dma semaphore(%run_scoped3A_396 : memref<!tpu.dma_semaphore, #tpu.memory_space<semaphore_mem>>) src(%arg6 : memref<128x128xf32, #tpu.memory_space<vmem>>) dst(%dma_wait3A_408 : memref<10112x128xf32, #tpu.memory_space<vmem_shared>>)
        tpu.yield
      }) : () -> ()
      %mul3A_309 = arith.constant 2 : i32
      %mul3A_310 = arith.muli %scan3A_221, %mul3A_309 : i32
      %add3A_311 = arith.constant 1 : i32
      %add3A_312 = arith.addi %mul3A_310, %add3A_311 : i32
      %add3A_313 = arith.constant 1 : i32
      %add3A_314 = arith.addi %add3A_312, %add3A_313 : i32
      %dma_start3A_315 = arith.constant 0 : i32
      %dma_start3A_316 = arith.constant 0 : i32
      %dma_start3A_317 = arith.constant 0 : i32
      %dma_start3A_318 = tpu.memref_slice %arg6[%dma_start3A_316, %dma_start3A_317] : memref<128x128xf32, #tpu.memory_space<vmem>> -> memref<32x128xf32, #tpu.memory_space<vmem>>
      %dma_start3A_319 = arith.constant 0 : i32
      %dma_start3A_320 = tpu.memref_slice %arg5[%add3A_314, %dma_start3A_315, %dma_start3A_319] : memref<41x2x128xi32, #tpu.memory_space<vmem>> -> memref<1x1x32xi32, #tpu.memory_space<vmem>>
      %dma_start3A_321 = tpu.memref_squeeze %dma_start3A_320 : memref<1x1x32xi32, #tpu.memory_space<vmem>> -> memref<32xi32, #tpu.memory_space<vmem>>
      %dma_start3A_322 = arith.constant 0 : i32
      %dma_start3A_323 = arith.constant 0 : i32
      %dma_start3A_324 = tpu.memref_slice %arg2[%dma_start3A_322, %dma_start3A_323] : memref<10000x128xf32, #tpu.memory_space<hbm>> -> memref<10000x128xf32, #tpu.memory_space<hbm>>
      tpu.enqueue_indirect_dma source(%dma_start3A_324 : memref<10000x128xf32, #tpu.memory_space<hbm>>) target(%dma_start3A_318 : memref<32x128xf32, #tpu.memory_space<vmem>>) offsets(%dma_start3A_321 : memref<32xi32, #tpu.memory_space<vmem>>) semaphore(%arg9 : memref<!tpu.dma_semaphore, #tpu.memory_space<semaphore_mem>>)
      %dma_start3A_325 = arith.constant 0 : i32
      %dma_start3A_326 = arith.constant 32 : i32
      %dma_start3A_327 = arith.constant 0 : i32
      %dma_start3A_328 = tpu.memref_slice %arg6[%dma_start3A_326, %dma_start3A_327] : memref<128x128xf32, #tpu.memory_space<vmem>> -> memref<32x128xf32, #tpu.memory_space<vmem>>
      %dma_start3A_329 = arith.constant 32 : i32
      %dma_start3A_330 = tpu.memref_slice %arg5[%add3A_314, %dma_start3A_325, %dma_start3A_329] : memref<41x2x128xi32, #tpu.memory_space<vmem>> -> memref<1x1x32xi32, #tpu.memory_space<vmem>>
      %dma_start3A_331 = tpu.memref_squeeze %dma_start3A_330 : memref<1x1x32xi32, #tpu.memory_space<vmem>> -> memref<32xi32, #tpu.memory_space<vmem>>
      %dma_start3A_332 = arith.constant 0 : i32
      %dma_start3A_333 = arith.constant 0 : i32
      %dma_start3A_334 = tpu.memref_slice %arg2[%dma_start3A_332, %dma_start3A_333] : memref<10000x128xf32, #tpu.memory_space<hbm>> -> memref<10000x128xf32, #tpu.memory_space<hbm>>
      tpu.enqueue_indirect_dma source(%dma_start3A_334 : memref<10000x128xf32, #tpu.memory_space<hbm>>) target(%dma_start3A_328 : memref<32x128xf32, #tpu.memory_space<vmem>>) offsets(%dma_start3A_331 : memref<32xi32, #tpu.memory_space<vmem>>) semaphore(%arg10 : memref<!tpu.dma_semaphore, #tpu.memory_space<semaphore_mem>>)
      %dma_start3A_335 = arith.constant 0 : i32
      %dma_start3A_336 = arith.constant 64 : i32
      %dma_start3A_337 = arith.constant 0 : i32
      %dma_start3A_338 = tpu.memref_slice %arg6[%dma_start3A_336, %dma_start3A_337] : memref<128x128xf32, #tpu.memory_space<vmem>> -> memref<32x128xf32, #tpu.memory_space<vmem>>
      %dma_start3A_339 = arith.constant 64 : i32
      %dma_start3A_340 = tpu.memref_slice %arg5[%add3A_314, %dma_start3A_335, %dma_start3A_339] : memref<41x2x128xi32, #tpu.memory_space<vmem>> -> memref<1x1x32xi32, #tpu.memory_space<vmem>>
      %dma_start3A_341 = tpu.memref_squeeze %dma_start3A_340 : memref<1x1x32xi32, #tpu.memory_space<vmem>> -> memref<32xi32, #tpu.memory_space<vmem>>
      %dma_start3A_342 = arith.constant 0 : i32
      %dma_start3A_343 = arith.constant 0 : i32
      %dma_start3A_344 = tpu.memref_slice %arg2[%dma_start3A_342, %dma_start3A_343] : memref<10000x128xf32, #tpu.memory_space<hbm>> -> memref<10000x128xf32, #tpu.memory_space<hbm>>
      tpu.enqueue_indirect_dma source(%dma_start3A_344 : memref<10000x128xf32, #tpu.memory_space<hbm>>) target(%dma_start3A_338 : memref<32x128xf32, #tpu.memory_space<vmem>>) offsets(%dma_start3A_341 : memref<32xi32, #tpu.memory_space<vmem>>) semaphore(%arg11 : memref<!tpu.dma_semaphore, #tpu.memory_space<semaphore_mem>>)
      %dma_start3A_345 = arith.constant 0 : i32
      %dma_start3A_346 = arith.constant 96 : i32
      %dma_start3A_347 = arith.constant 0 : i32
      %dma_start3A_348 = tpu.memref_slice %arg6[%dma_start3A_346, %dma_start3A_347] : memref<128x128xf32, #tpu.memory_space<vmem>> -> memref<32x128xf32, #tpu.memory_space<vmem>>
      %dma_start3A_349 = arith.constant 96 : i32
      %dma_start3A_350 = tpu.memref_slice %arg5[%add3A_314, %dma_start3A_345, %dma_start3A_349] : memref<41x2x128xi32, #tpu.memory_space<vmem>> -> memref<1x1x32xi32, #tpu.memory_space<vmem>>
      %dma_start3A_351 = tpu.memref_squeeze %dma_start3A_350 : memref<1x1x32xi32, #tpu.memory_space<vmem>> -> memref<32xi32, #tpu.memory_space<vmem>>
      %dma_start3A_352 = arith.constant 0 : i32
      %dma_start3A_353 = arith.constant 0 : i32
      %dma_start3A_354 = tpu.memref_slice %arg2[%dma_start3A_352, %dma_start3A_353] : memref<10000x128xf32, #tpu.memory_space<hbm>> -> memref<10000x128xf32, #tpu.memory_space<hbm>>
      tpu.enqueue_indirect_dma source(%dma_start3A_354 : memref<10000x128xf32, #tpu.memory_space<hbm>>) target(%dma_start3A_348 : memref<32x128xf32, #tpu.memory_space<vmem>>) offsets(%dma_start3A_351 : memref<32xi32, #tpu.memory_space<vmem>>) semaphore(%arg12 : memref<!tpu.dma_semaphore, #tpu.memory_space<semaphore_mem>>)
      %dma_wait3A_355 = arith.constant 0 : i32
      %dma_wait3A_356 = arith.constant 0 : i32
      %dma_wait3A_357 = arith.constant 0 : i32
      %dma_wait3A_358 = tpu.memref_slice %arg7[%dma_wait3A_356, %dma_wait3A_357] : memref<128x128xf32, #tpu.memory_space<vmem>> -> memref<32x128xf32, #tpu.memory_space<vmem>>
      %dma_wait3A_359 = arith.constant 0 : i32
      %dma_wait3A_360 = tpu.memref_slice %arg5[%add3A_312, %dma_wait3A_355, %dma_wait3A_359] : memref<41x2x128xi32, #tpu.memory_space<vmem>> -> memref<1x1x32xi32, #tpu.memory_space<vmem>>
      %dma_wait3A_361 = tpu.memref_squeeze %dma_wait3A_360 : memref<1x1x32xi32, #tpu.memory_space<vmem>> -> memref<32xi32, #tpu.memory_space<vmem>>
      %dma_wait3A_362 = arith.constant 0 : i32
      %dma_wait3A_363 = arith.constant 0 : i32
      %dma_wait3A_364 = tpu.memref_slice %arg2[%dma_wait3A_362, %dma_wait3A_363] : memref<10000x128xf32, #tpu.memory_space<hbm>> -> memref<10000x128xf32, #tpu.memory_space<hbm>>
      tpu.wait_indirect_dma semaphore(%arg13 : memref<!tpu.dma_semaphore, #tpu.memory_space<semaphore_mem>>) src(%dma_wait3A_364 : memref<10000x128xf32, #tpu.memory_space<hbm>>) dst(%dma_wait3A_358 : memref<32x128xf32, #tpu.memory_space<vmem>>)
      %dma_wait3A_365 = arith.constant 0 : i32
      %dma_wait3A_366 = arith.constant 32 : i32
      %dma_wait3A_367 = arith.constant 0 : i32
      %dma_wait3A_368 = tpu.memref_slice %arg7[%dma_wait3A_366, %dma_wait3A_367] : memref<128x128xf32, #tpu.memory_space<vmem>> -> memref<32x128xf32, #tpu.memory_space<vmem>>
      %dma_wait3A_369 = arith.constant 32 : i32
      %dma_wait3A_370 = tpu.memref_slice %arg5[%add3A_312, %dma_wait3A_365, %dma_wait3A_369] : memref<41x2x128xi32, #tpu.memory_space<vmem>> -> memref<1x1x32xi32, #tpu.memory_space<vmem>>
      %dma_wait3A_371 = tpu.memref_squeeze %dma_wait3A_370 : memref<1x1x32xi32, #tpu.memory_space<vmem>> -> memref<32xi32, #tpu.memory_space<vmem>>
      %dma_wait3A_372 = arith.constant 0 : i32
      %dma_wait3A_373 = arith.constant 0 : i32
      %dma_wait3A_374 = tpu.memref_slice %arg2[%dma_wait3A_372, %dma_wait3A_373] : memref<10000x128xf32, #tpu.memory_space<hbm>> -> memref<10000x128xf32, #tpu.memory_space<hbm>>
      tpu.wait_indirect_dma semaphore(%arg14 : memref<!tpu.dma_semaphore, #tpu.memory_space<semaphore_mem>>) src(%dma_wait3A_374 : memref<10000x128xf32, #tpu.memory_space<hbm>>) dst(%dma_wait3A_368 : memref<32x128xf32, #tpu.memory_space<vmem>>)
      %dma_wait3A_375 = arith.constant 0 : i32
      %dma_wait3A_376 = arith.constant 64 : i32
      %dma_wait3A_377 = arith.constant 0 : i32
      %dma_wait3A_378 = tpu.memref_slice %arg7[%dma_wait3A_376, %dma_wait3A_377] : memref<128x128xf32, #tpu.memory_space<vmem>> -> memref<32x128xf32, #tpu.memory_space<vmem>>
      %dma_wait3A_379 = arith.constant 64 : i32
      %dma_wait3A_380 = tpu.memref_slice %arg5[%add3A_312, %dma_wait3A_375, %dma_wait3A_379] : memref<41x2x128xi32, #tpu.memory_space<vmem>> -> memref<1x1x32xi32, #tpu.memory_space<vmem>>
      %dma_wait3A_381 = tpu.memref_squeeze %dma_wait3A_380 : memref<1x1x32xi32, #tpu.memory_space<vmem>> -> memref<32xi32, #tpu.memory_space<vmem>>
      %dma_wait3A_382 = arith.constant 0 : i32
      %dma_wait3A_383 = arith.constant 0 : i32
      %dma_wait3A_384 = tpu.memref_slice %arg2[%dma_wait3A_382, %dma_wait3A_383] : memref<10000x128xf32, #tpu.memory_space<hbm>> -> memref<10000x128xf32, #tpu.memory_space<hbm>>
      tpu.wait_indirect_dma semaphore(%arg15 : memref<!tpu.dma_semaphore, #tpu.memory_space<semaphore_mem>>) src(%dma_wait3A_384 : memref<10000x128xf32, #tpu.memory_space<hbm>>) dst(%dma_wait3A_378 : memref<32x128xf32, #tpu.memory_space<vmem>>)
      %dma_wait3A_385 = arith.constant 0 : i32
      %dma_wait3A_386 = arith.constant 96 : i32
      %dma_wait3A_387 = arith.constant 0 : i32
      %dma_wait3A_388 = tpu.memref_slice %arg7[%dma_wait3A_386, %dma_wait3A_387] : memref<128x128xf32, #tpu.memory_space<vmem>> -> memref<32x128xf32, #tpu.memory_space<vmem>>
      %dma_wait3A_389 = arith.constant 96 : i32
      %dma_wait3A_390 = tpu.memref_slice %arg5[%add3A_312, %dma_wait3A_385, %dma_wait3A_389] : memref<41x2x128xi32, #tpu.memory_space<vmem>> -> memref<1x1x32xi32, #tpu.memory_space<vmem>>
      %dma_wait3A_391 = tpu.memref_squeeze %dma_wait3A_390 : memref<1x1x32xi32, #tpu.memory_space<vmem>> -> memref<32xi32, #tpu.memory_space<vmem>>
      %dma_wait3A_392 = arith.constant 0 : i32
      %dma_wait3A_393 = arith.constant 0 : i32
      %dma_wait3A_394 = tpu.memref_slice %arg2[%dma_wait3A_392, %dma_wait3A_393] : memref<10000x128xf32, #tpu.memory_space<hbm>> -> memref<10000x128xf32, #tpu.memory_space<hbm>>
      tpu.wait_indirect_dma semaphore(%arg16 : memref<!tpu.dma_semaphore, #tpu.memory_space<semaphore_mem>>) src(%dma_wait3A_394 : memref<10000x128xf32, #tpu.memory_space<hbm>>) dst(%dma_wait3A_388 : memref<32x128xf32, #tpu.memory_space<vmem>>)
      %run_scoped3A_395 = arith.constant 1 : i32
      "tpu.region"() ({
        %run_scoped3A_396 = tpu.sem_alloc : memref<!tpu.dma_semaphore, #tpu.memory_space<semaphore_mem>>
        %dma_start3A_397 = arith.constant 0 : i32
        %dma_start3A_398 = tpu.memref_slice %arg5[%add3A_312, %run_scoped3A_395, %dma_start3A_397] : memref<41x2x128xi32, #tpu.memory_space<vmem>> -> memref<1x1x128xi32, #tpu.memory_space<vmem>>
        %dma_start3A_399 = tpu.memref_squeeze %dma_start3A_398 : memref<1x1x128xi32, #tpu.memory_space<vmem>> -> memref<128xi32, #tpu.memory_space<vmem>>
        %dma_start3A_400 = arith.constant 0 : i32
        %dma_start3A_401 = arith.constant 0 : i32
        %dma_start3A_402 = tpu.memref_slice %arg8[%dma_start3A_400, %dma_start3A_401] : memref<10112x128xf32, #tpu.memory_space<vmem_shared>> -> memref<10112x128xf32, #tpu.memory_space<vmem_shared>>
        tpu.enqueue_indirect_dma source(%arg7 : memref<128x128xf32, #tpu.memory_space<vmem>>) target(%dma_start3A_402 : memref<10112x128xf32, #tpu.memory_space<vmem_shared>>) offsets(%dma_start3A_399 : memref<128xi32, #tpu.memory_space<vmem>>) semaphore(%run_scoped3A_396 : memref<!tpu.dma_semaphore, #tpu.memory_space<semaphore_mem>>) {add = true}
        %dma_wait3A_403 = arith.constant 0 : i32
        %dma_wait3A_404 = tpu.memref_slice %arg5[%add3A_312, %run_scoped3A_395, %dma_wait3A_403] : memref<41x2x128xi32, #tpu.memory_space<vmem>> -> memref<1x1x128xi32, #tpu.memory_space<vmem>>
        %dma_wait3A_405 = tpu.memref_squeeze %dma_wait3A_404 : memref<1x1x128xi32, #tpu.memory_space<vmem>> -> memref<128xi32, #tpu.memory_space<vmem>>
        %dma_wait3A_406 = arith.constant 0 : i32
        %dma_wait3A_407 = arith.constant 0 : i32
        %dma_wait3A_408 = tpu.memref_slice %arg8[%dma_wait3A_406, %dma_wait3A_407] : memref<10112x128xf32, #tpu.memory_space<vmem_shared>> -> memref<10112x128xf32, #tpu.memory_space<vmem_shared>>
        tpu.wait_indirect_dma semaphore(%run_scoped3A_396 : memref<!tpu.dma_semaphore, #tpu.memory_space<semaphore_mem>>) src(%arg7 : memref<128x128xf32, #tpu.memory_space<vmem>>) dst(%dma_wait3A_408 : memref<10112x128xf32, #tpu.memory_space<vmem_shared>>)
        tpu.yield
      }) : () -> ()
    }
    %scan3A_75 = arith.constant 20 : i32
    %dma_wait3A = arith.constant 40 : i32
    %dma_wait3A_76 = arith.constant 0 : i32
    %dma_wait3A_77 = arith.constant 0 : i32
    %dma_wait3A_78 = arith.constant 0 : i32
    %dma_wait3A_79 = tpu.memref_slice %arg6[%dma_wait3A_77, %dma_wait3A_78] : memref<128x128xf32, #tpu.memory_space<vmem>> -> memref<32x128xf32, #tpu.memory_space<vmem>>
    %dma_wait3A_80 = arith.constant 0 : i32
    %dma_wait3A_81 = tpu.memref_slice %arg5[%dma_wait3A, %dma_wait3A_76, %dma_wait3A_80] : memref<41x2x128xi32, #tpu.memory_space<vmem>> -> memref<1x1x32xi32, #tpu.memory_space<vmem>>
    %dma_wait3A_82 = tpu.memref_squeeze %dma_wait3A_81 : memref<1x1x32xi32, #tpu.memory_space<vmem>> -> memref<32xi32, #tpu.memory_space<vmem>>
    %dma_wait3A_83 = arith.constant 0 : i32
    %dma_wait3A_84 = arith.constant 0 : i32
    %dma_wait3A_85 = tpu.memref_slice %arg2[%dma_wait3A_83, %dma_wait3A_84] : memref<10000x128xf32, #tpu.memory_space<hbm>> -> memref<10000x128xf32, #tpu.memory_space<hbm>>
    tpu.wait_indirect_dma semaphore(%arg9 : memref<!tpu.dma_semaphore, #tpu.memory_space<semaphore_mem>>) src(%dma_wait3A_85 : memref<10000x128xf32, #tpu.memory_space<hbm>>) dst(%dma_wait3A_79 : memref<32x128xf32, #tpu.memory_space<vmem>>)
    %dma_wait3A_86 = arith.constant 40 : i32
    %dma_wait3A_87 = arith.constant 0 : i32
    %dma_wait3A_88 = arith.constant 32 : i32
    %dma_wait3A_89 = arith.constant 0 : i32
    %dma_wait3A_90 = tpu.memref_slice %arg6[%dma_wait3A_88, %dma_wait3A_89] : memref<128x128xf32, #tpu.memory_space<vmem>> -> memref<32x128xf32, #tpu.memory_space<vmem>>
    %dma_wait3A_91 = arith.constant 32 : i32
    %dma_wait3A_92 = tpu.memref_slice %arg5[%dma_wait3A_86, %dma_wait3A_87, %dma_wait3A_91] : memref<41x2x128xi32, #tpu.memory_space<vmem>> -> memref<1x1x32xi32, #tpu.memory_space<vmem>>
    %dma_wait3A_93 = tpu.memref_squeeze %dma_wait3A_92 : memref<1x1x32xi32, #tpu.memory_space<vmem>> -> memref<32xi32, #tpu.memory_space<vmem>>
    %dma_wait3A_94 = arith.constant 0 : i32
    %dma_wait3A_95 = arith.constant 0 : i32
    %dma_wait3A_96 = tpu.memref_slice %arg2[%dma_wait3A_94, %dma_wait3A_95] : memref<10000x128xf32, #tpu.memory_space<hbm>> -> memref<10000x128xf32, #tpu.memory_space<hbm>>
    tpu.wait_indirect_dma semaphore(%arg10 : memref<!tpu.dma_semaphore, #tpu.memory_space<semaphore_mem>>) src(%dma_wait3A_96 : memref<10000x128xf32, #tpu.memory_space<hbm>>) dst(%dma_wait3A_90 : memref<32x128xf32, #tpu.memory_space<vmem>>)
    %dma_wait3A_97 = arith.constant 40 : i32
    %dma_wait3A_98 = arith.constant 0 : i32
    %dma_wait3A_99 = arith.constant 64 : i32
    %dma_wait3A_100 = arith.constant 0 : i32
    %dma_wait3A_101 = tpu.memref_slice %arg6[%dma_wait3A_99, %dma_wait3A_100] : memref<128x128xf32, #tpu.memory_space<vmem>> -> memref<32x128xf32, #tpu.memory_space<vmem>>
    %dma_wait3A_102 = arith.constant 64 : i32
    %dma_wait3A_103 = tpu.memref_slice %arg5[%dma_wait3A_97, %dma_wait3A_98, %dma_wait3A_102] : memref<41x2x128xi32, #tpu.memory_space<vmem>> -> memref<1x1x32xi32, #tpu.memory_space<vmem>>
    %dma_wait3A_104 = tpu.memref_squeeze %dma_wait3A_103 : memref<1x1x32xi32, #tpu.memory_space<vmem>> -> memref<32xi32, #tpu.memory_space<vmem>>
    %dma_wait3A_105 = arith.constant 0 : i32
    %dma_wait3A_106 = arith.constant 0 : i32
    %dma_wait3A_107 = tpu.memref_slice %arg2[%dma_wait3A_105, %dma_wait3A_106] : memref<10000x128xf32, #tpu.memory_space<hbm>> -> memref<10000x128xf32, #tpu.memory_space<hbm>>
    tpu.wait_indirect_dma semaphore(%arg11 : memref<!tpu.dma_semaphore, #tpu.memory_space<semaphore_mem>>) src(%dma_wait3A_107 : memref<10000x128xf32, #tpu.memory_space<hbm>>) dst(%dma_wait3A_101 : memref<32x128xf32, #tpu.memory_space<vmem>>)
    %dma_wait3A_108 = arith.constant 40 : i32
    %dma_wait3A_109 = arith.constant 0 : i32
    %dma_wait3A_110 = arith.constant 96 : i32
    %dma_wait3A_111 = arith.constant 0 : i32
    %dma_wait3A_112 = tpu.memref_slice %arg6[%dma_wait3A_110, %dma_wait3A_111] : memref<128x128xf32, #tpu.memory_space<vmem>> -> memref<32x128xf32, #tpu.memory_space<vmem>>
    %dma_wait3A_113 = arith.constant 96 : i32
    %dma_wait3A_114 = tpu.memref_slice %arg5[%dma_wait3A_108, %dma_wait3A_109, %dma_wait3A_113] : memref<41x2x128xi32, #tpu.memory_space<vmem>> -> memref<1x1x32xi32, #tpu.memory_space<vmem>>
    %dma_wait3A_115 = tpu.memref_squeeze %dma_wait3A_114 : memref<1x1x32xi32, #tpu.memory_space<vmem>> -> memref<32xi32, #tpu.memory_space<vmem>>
    %dma_wait3A_116 = arith.constant 0 : i32
    %dma_wait3A_117 = arith.constant 0 : i32
    %dma_wait3A_118 = tpu.memref_slice %arg2[%dma_wait3A_116, %dma_wait3A_117] : memref<10000x128xf32, #tpu.memory_space<hbm>> -> memref<10000x128xf32, #tpu.memory_space<hbm>>
    tpu.wait_indirect_dma semaphore(%arg12 : memref<!tpu.dma_semaphore, #tpu.memory_space<semaphore_mem>>) src(%dma_wait3A_118 : memref<10000x128xf32, #tpu.memory_space<hbm>>) dst(%dma_wait3A_112 : memref<32x128xf32, #tpu.memory_space<vmem>>)
    %run_scoped3A = arith.constant 40 : i32
    %run_scoped3A_119 = arith.constant 1 : i32
    "tpu.region"() ({
      %run_scoped3A_221 = tpu.sem_alloc : memref<!tpu.dma_semaphore, #tpu.memory_space<semaphore_mem>>
      %dma_start3A_222 = arith.constant 0 : i32
      %dma_start3A_223 = tpu.memref_slice %arg5[%run_scoped3A, %run_scoped3A_119, %dma_start3A_222] : memref<41x2x128xi32, #tpu.memory_space<vmem>> -> memref<1x1x128xi32, #tpu.memory_space<vmem>>
      %dma_start3A_224 = tpu.memref_squeeze %dma_start3A_223 : memref<1x1x128xi32, #tpu.memory_space<vmem>> -> memref<128xi32, #tpu.memory_space<vmem>>
      %dma_start3A_225 = arith.constant 0 : i32
      %dma_start3A_226 = arith.constant 0 : i32
      %dma_start3A_227 = tpu.memref_slice %arg8[%dma_start3A_225, %dma_start3A_226] : memref<10112x128xf32, #tpu.memory_space<vmem_shared>> -> memref<10112x128xf32, #tpu.memory_space<vmem_shared>>
      tpu.enqueue_indirect_dma source(%arg6 : memref<128x128xf32, #tpu.memory_space<vmem>>) target(%dma_start3A_227 : memref<10112x128xf32, #tpu.memory_space<vmem_shared>>) offsets(%dma_start3A_224 : memref<128xi32, #tpu.memory_space<vmem>>) semaphore(%run_scoped3A_221 : memref<!tpu.dma_semaphore, #tpu.memory_space<semaphore_mem>>) {add = true}
      %dma_wait3A_228 = arith.constant 0 : i32
      %dma_wait3A_229 = tpu.memref_slice %arg5[%run_scoped3A, %run_scoped3A_119, %dma_wait3A_228] : memref<41x2x128xi32, #tpu.memory_space<vmem>> -> memref<1x1x128xi32, #tpu.memory_space<vmem>>
      %dma_wait3A_230 = tpu.memref_squeeze %dma_wait3A_229 : memref<1x1x128xi32, #tpu.memory_space<vmem>> -> memref<128xi32, #tpu.memory_space<vmem>>
      %dma_wait3A_231 = arith.constant 0 : i32
      %dma_wait3A_232 = arith.constant 0 : i32
      %dma_wait3A_233 = tpu.memref_slice %arg8[%dma_wait3A_231, %dma_wait3A_232] : memref<10112x128xf32, #tpu.memory_space<vmem_shared>> -> memref<10112x128xf32, #tpu.memory_space<vmem_shared>>
      tpu.wait_indirect_dma semaphore(%run_scoped3A_221 : memref<!tpu.dma_semaphore, #tpu.memory_space<semaphore_mem>>) src(%arg6 : memref<128x128xf32, #tpu.memory_space<vmem>>) dst(%dma_wait3A_233 : memref<10112x128xf32, #tpu.memory_space<vmem_shared>>)
      tpu.yield
    }) : () -> ()
    "tpu.region"() ({
      %run_scoped3A_221 = tpu.sem_alloc : memref<!tpu.dma_semaphore, #tpu.memory_space<semaphore_mem>>
      %dma_start3A_222 = arith.constant 41 : i32
      %dma_start3A_223 = arith.constant 0 : i32
      %dma_start3A_224 = arith.constant 0 : i32
      %dma_start3A_225 = tpu.memref_slice %arg3[%add3A, %dma_start3A_222, %dma_start3A_223, %dma_start3A_224] : memref<32x82x2x128xi32, #tpu.memory_space<hbm>> -> memref<1x41x2x128xi32, #tpu.memory_space<hbm>>
      %dma_start3A_226 = tpu.memref_squeeze %dma_start3A_225 : memref<1x41x2x128xi32, #tpu.memory_space<hbm>> -> memref<41x2x128xi32, #tpu.memory_space<hbm>>
      %dma_start3A_227 = arith.constant 41 : i32
      %dma_start3A_228 = arith.constant 0 : i32
      %dma_start3A_229 = arith.constant 0 : i32
      %dma_start3A_230 = tpu.memref_slice %arg3[%add3A, %dma_start3A_227, %dma_start3A_228, %dma_start3A_229] : memref<32x82x2x128xi32, #tpu.memory_space<hbm>> -> memref<1x41x2x128xi32, #tpu.memory_space<hbm>>
      %dma_start3A_231 = tpu.memref_squeeze %dma_start3A_230 : memref<1x41x2x128xi32, #tpu.memory_space<hbm>> -> memref<41x2x128xi32, #tpu.memory_space<hbm>>
      tpu.enqueue_dma source(%dma_start3A_231 : memref<41x2x128xi32, #tpu.memory_space<hbm>>) target(%arg5 : memref<41x2x128xi32, #tpu.memory_space<vmem>>) target_semaphore(%run_scoped3A_221 : memref<!tpu.dma_semaphore, #tpu.memory_space<semaphore_mem>>)
      %dma_wait3A_232 = arith.constant 41 : i32
      %dma_wait3A_233 = arith.constant 0 : i32
      %dma_wait3A_234 = arith.constant 0 : i32
      %dma_wait3A_235 = tpu.memref_slice %arg3[%add3A, %dma_wait3A_232, %dma_wait3A_233, %dma_wait3A_234] : memref<32x82x2x128xi32, #tpu.memory_space<hbm>> -> memref<1x41x2x128xi32, #tpu.memory_space<hbm>>
      %dma_wait3A_236 = tpu.memref_squeeze %dma_wait3A_235 : memref<1x41x2x128xi32, #tpu.memory_space<hbm>> -> memref<41x2x128xi32, #tpu.memory_space<hbm>>
      %dma_wait3A_237 = arith.constant 41 : i32
      %dma_wait3A_238 = arith.constant 0 : i32
      %dma_wait3A_239 = arith.constant 0 : i32
      %dma_wait3A_240 = tpu.memref_slice %arg3[%add3A, %dma_wait3A_237, %dma_wait3A_238, %dma_wait3A_239] : memref<32x82x2x128xi32, #tpu.memory_space<hbm>> -> memref<1x41x2x128xi32, #tpu.memory_space<hbm>>
      %dma_wait3A_241 = tpu.memref_squeeze %dma_wait3A_240 : memref<1x41x2x128xi32, #tpu.memory_space<hbm>> -> memref<41x2x128xi32, #tpu.memory_space<hbm>>
      tpu.wait_dma2 semaphore(%run_scoped3A_221 : memref<!tpu.dma_semaphore, #tpu.memory_space<semaphore_mem>>) src(%dma_wait3A_241 : memref<41x2x128xi32, #tpu.memory_space<hbm>>) dst(%arg5 : memref<41x2x128xi32, #tpu.memory_space<vmem>>)
      tpu.yield
    }) : () -> ()
    %dma_start3A_120 = arith.constant 0 : i32
    %dma_start3A_121 = arith.constant 0 : i32
    %dma_start3A_122 = arith.constant 0 : i32
    %dma_start3A_123 = arith.constant 0 : i32
    %dma_start3A_124 = tpu.memref_slice %arg6[%dma_start3A_122, %dma_start3A_123] : memref<128x128xf32, #tpu.memory_space<vmem>> -> memref<32x128xf32, #tpu.memory_space<vmem>>
    %dma_start3A_125 = arith.constant 0 : i32
    %dma_start3A_126 = tpu.memref_slice %arg5[%dma_start3A_120, %dma_start3A_121, %dma_start3A_125] : memref<41x2x128xi32, #tpu.memory_space<vmem>> -> memref<1x1x32xi32, #tpu.memory_space<vmem>>
    %dma_start3A_127 = tpu.memref_squeeze %dma_start3A_126 : memref<1x1x32xi32, #tpu.memory_space<vmem>> -> memref<32xi32, #tpu.memory_space<vmem>>
    %dma_start3A_128 = arith.constant 0 : i32
    %dma_start3A_129 = arith.constant 0 : i32
    %dma_start3A_130 = tpu.memref_slice %arg2[%dma_start3A_128, %dma_start3A_129] : memref<10000x128xf32, #tpu.memory_space<hbm>> -> memref<10000x128xf32, #tpu.memory_space<hbm>>
    tpu.enqueue_indirect_dma source(%dma_start3A_130 : memref<10000x128xf32, #tpu.memory_space<hbm>>) target(%dma_start3A_124 : memref<32x128xf32, #tpu.memory_space<vmem>>) offsets(%dma_start3A_127 : memref<32xi32, #tpu.memory_space<vmem>>) semaphore(%arg9 : memref<!tpu.dma_semaphore, #tpu.memory_space<semaphore_mem>>)
    %dma_start3A_131 = arith.constant 0 : i32
    %dma_start3A_132 = arith.constant 0 : i32
    %dma_start3A_133 = arith.constant 32 : i32
    %dma_start3A_134 = arith.constant 0 : i32
    %dma_start3A_135 = tpu.memref_slice %arg6[%dma_start3A_133, %dma_start3A_134] : memref<128x128xf32, #tpu.memory_space<vmem>> -> memref<32x128xf32, #tpu.memory_space<vmem>>
    %dma_start3A_136 = arith.constant 32 : i32
    %dma_start3A_137 = tpu.memref_slice %arg5[%dma_start3A_131, %dma_start3A_132, %dma_start3A_136] : memref<41x2x128xi32, #tpu.memory_space<vmem>> -> memref<1x1x32xi32, #tpu.memory_space<vmem>>
    %dma_start3A_138 = tpu.memref_squeeze %dma_start3A_137 : memref<1x1x32xi32, #tpu.memory_space<vmem>> -> memref<32xi32, #tpu.memory_space<vmem>>
    %dma_start3A_139 = arith.constant 0 : i32
    %dma_start3A_140 = arith.constant 0 : i32
    %dma_start3A_141 = tpu.memref_slice %arg2[%dma_start3A_139, %dma_start3A_140] : memref<10000x128xf32, #tpu.memory_space<hbm>> -> memref<10000x128xf32, #tpu.memory_space<hbm>>
    tpu.enqueue_indirect_dma source(%dma_start3A_141 : memref<10000x128xf32, #tpu.memory_space<hbm>>) target(%dma_start3A_135 : memref<32x128xf32, #tpu.memory_space<vmem>>) offsets(%dma_start3A_138 : memref<32xi32, #tpu.memory_space<vmem>>) semaphore(%arg10 : memref<!tpu.dma_semaphore, #tpu.memory_space<semaphore_mem>>)
    %dma_start3A_142 = arith.constant 0 : i32
    %dma_start3A_143 = arith.constant 0 : i32
    %dma_start3A_144 = arith.constant 64 : i32
    %dma_start3A_145 = arith.constant 0 : i32
    %dma_start3A_146 = tpu.memref_slice %arg6[%dma_start3A_144, %dma_start3A_145] : memref<128x128xf32, #tpu.memory_space<vmem>> -> memref<32x128xf32, #tpu.memory_space<vmem>>
    %dma_start3A_147 = arith.constant 64 : i32
    %dma_start3A_148 = tpu.memref_slice %arg5[%dma_start3A_142, %dma_start3A_143, %dma_start3A_147] : memref<41x2x128xi32, #tpu.memory_space<vmem>> -> memref<1x1x32xi32, #tpu.memory_space<vmem>>
    %dma_start3A_149 = tpu.memref_squeeze %dma_start3A_148 : memref<1x1x32xi32, #tpu.memory_space<vmem>> -> memref<32xi32, #tpu.memory_space<vmem>>
    %dma_start3A_150 = arith.constant 0 : i32
    %dma_start3A_151 = arith.constant 0 : i32
    %dma_start3A_152 = tpu.memref_slice %arg2[%dma_start3A_150, %dma_start3A_151] : memref<10000x128xf32, #tpu.memory_space<hbm>> -> memref<10000x128xf32, #tpu.memory_space<hbm>>
    tpu.enqueue_indirect_dma source(%dma_start3A_152 : memref<10000x128xf32, #tpu.memory_space<hbm>>) target(%dma_start3A_146 : memref<32x128xf32, #tpu.memory_space<vmem>>) offsets(%dma_start3A_149 : memref<32xi32, #tpu.memory_space<vmem>>) semaphore(%arg11 : memref<!tpu.dma_semaphore, #tpu.memory_space<semaphore_mem>>)
    %dma_start3A_153 = arith.constant 0 : i32
    %dma_start3A_154 = arith.constant 0 : i32
    %dma_start3A_155 = arith.constant 96 : i32
    %dma_start3A_156 = arith.constant 0 : i32
    %dma_start3A_157 = tpu.memref_slice %arg6[%dma_start3A_155, %dma_start3A_156] : memref<128x128xf32, #tpu.memory_space<vmem>> -> memref<32x128xf32, #tpu.memory_space<vmem>>
    %dma_start3A_158 = arith.constant 96 : i32
    %dma_start3A_159 = tpu.memref_slice %arg5[%dma_start3A_153, %dma_start3A_154, %dma_start3A_158] : memref<41x2x128xi32, #tpu.memory_space<vmem>> -> memref<1x1x32xi32, #tpu.memory_space<vmem>>
    %dma_start3A_160 = tpu.memref_squeeze %dma_start3A_159 : memref<1x1x32xi32, #tpu.memory_space<vmem>> -> memref<32xi32, #tpu.memory_space<vmem>>
    %dma_start3A_161 = arith.constant 0 : i32
    %dma_start3A_162 = arith.constant 0 : i32
    %dma_start3A_163 = tpu.memref_slice %arg2[%dma_start3A_161, %dma_start3A_162] : memref<10000x128xf32, #tpu.memory_space<hbm>> -> memref<10000x128xf32, #tpu.memory_space<hbm>>
    tpu.enqueue_indirect_dma source(%dma_start3A_163 : memref<10000x128xf32, #tpu.memory_space<hbm>>) target(%dma_start3A_157 : memref<32x128xf32, #tpu.memory_space<vmem>>) offsets(%dma_start3A_160 : memref<32xi32, #tpu.memory_space<vmem>>) semaphore(%arg12 : memref<!tpu.dma_semaphore, #tpu.memory_space<semaphore_mem>>)
    %scan3A_164 = arith.constant 0 : i32
    %scan3A_165 = arith.constant 0 : i32
    %scan3A_166 = arith.constant 20 : i32
    %scan3A_167 = arith.addi %scan3A_165, %scan3A_166 : i32
    %scan3A_168 = arith.constant 1 : i32
    scf.for %scan3A_221 = %scan3A_165 to %scan3A_167 step %scan3A_168  : i32 {
      %mul3A_222 = arith.constant 2 : i32
      %mul3A_223 = arith.muli %scan3A_221, %mul3A_222 : i32
      %add3A_224 = arith.constant 0 : i32
      %add3A_225 = arith.addi %mul3A_223, %add3A_224 : i32
      %add3A_226 = arith.constant 1 : i32
      %add3A_227 = arith.addi %add3A_225, %add3A_226 : i32
      %dma_start3A_228 = arith.constant 0 : i32
      %dma_start3A_229 = arith.constant 0 : i32
      %dma_start3A_230 = arith.constant 0 : i32
      %dma_start3A_231 = tpu.memref_slice %arg7[%dma_start3A_229, %dma_start3A_230] : memref<128x128xf32, #tpu.memory_space<vmem>> -> memref<32x128xf32, #tpu.memory_space<vmem>>
      %dma_start3A_232 = arith.constant 0 : i32
      %dma_start3A_233 = tpu.memref_slice %arg5[%add3A_227, %dma_start3A_228, %dma_start3A_232] : memref<41x2x128xi32, #tpu.memory_space<vmem>> -> memref<1x1x32xi32, #tpu.memory_space<vmem>>
      %dma_start3A_234 = tpu.memref_squeeze %dma_start3A_233 : memref<1x1x32xi32, #tpu.memory_space<vmem>> -> memref<32xi32, #tpu.memory_space<vmem>>
      %dma_start3A_235 = arith.constant 0 : i32
      %dma_start3A_236 = arith.constant 0 : i32
      %dma_start3A_237 = tpu.memref_slice %arg2[%dma_start3A_235, %dma_start3A_236] : memref<10000x128xf32, #tpu.memory_space<hbm>> -> memref<10000x128xf32, #tpu.memory_space<hbm>>
      tpu.enqueue_indirect_dma source(%dma_start3A_237 : memref<10000x128xf32, #tpu.memory_space<hbm>>) target(%dma_start3A_231 : memref<32x128xf32, #tpu.memory_space<vmem>>) offsets(%dma_start3A_234 : memref<32xi32, #tpu.memory_space<vmem>>) semaphore(%arg13 : memref<!tpu.dma_semaphore, #tpu.memory_space<semaphore_mem>>)
      %dma_start3A_238 = arith.constant 0 : i32
      %dma_start3A_239 = arith.constant 32 : i32
      %dma_start3A_240 = arith.constant 0 : i32
      %dma_start3A_241 = tpu.memref_slice %arg7[%dma_start3A_239, %dma_start3A_240] : memref<128x128xf32, #tpu.memory_space<vmem>> -> memref<32x128xf32, #tpu.memory_space<vmem>>
      %dma_start3A_242 = arith.constant 32 : i32
      %dma_start3A_243 = tpu.memref_slice %arg5[%add3A_227, %dma_start3A_238, %dma_start3A_242] : memref<41x2x128xi32, #tpu.memory_space<vmem>> -> memref<1x1x32xi32, #tpu.memory_space<vmem>>
      %dma_start3A_244 = tpu.memref_squeeze %dma_start3A_243 : memref<1x1x32xi32, #tpu.memory_space<vmem>> -> memref<32xi32, #tpu.memory_space<vmem>>
      %dma_start3A_245 = arith.constant 0 : i32
      %dma_start3A_246 = arith.constant 0 : i32
      %dma_start3A_247 = tpu.memref_slice %arg2[%dma_start3A_245, %dma_start3A_246] : memref<10000x128xf32, #tpu.memory_space<hbm>> -> memref<10000x128xf32, #tpu.memory_space<hbm>>
      tpu.enqueue_indirect_dma source(%dma_start3A_247 : memref<10000x128xf32, #tpu.memory_space<hbm>>) target(%dma_start3A_241 : memref<32x128xf32, #tpu.memory_space<vmem>>) offsets(%dma_start3A_244 : memref<32xi32, #tpu.memory_space<vmem>>) semaphore(%arg14 : memref<!tpu.dma_semaphore, #tpu.memory_space<semaphore_mem>>)
      %dma_start3A_248 = arith.constant 0 : i32
      %dma_start3A_249 = arith.constant 64 : i32
      %dma_start3A_250 = arith.constant 0 : i32
      %dma_start3A_251 = tpu.memref_slice %arg7[%dma_start3A_249, %dma_start3A_250] : memref<128x128xf32, #tpu.memory_space<vmem>> -> memref<32x128xf32, #tpu.memory_space<vmem>>
      %dma_start3A_252 = arith.constant 64 : i32
      %dma_start3A_253 = tpu.memref_slice %arg5[%add3A_227, %dma_start3A_248, %dma_start3A_252] : memref<41x2x128xi32, #tpu.memory_space<vmem>> -> memref<1x1x32xi32, #tpu.memory_space<vmem>>
      %dma_start3A_254 = tpu.memref_squeeze %dma_start3A_253 : memref<1x1x32xi32, #tpu.memory_space<vmem>> -> memref<32xi32, #tpu.memory_space<vmem>>
      %dma_start3A_255 = arith.constant 0 : i32
      %dma_start3A_256 = arith.constant 0 : i32
      %dma_start3A_257 = tpu.memref_slice %arg2[%dma_start3A_255, %dma_start3A_256] : memref<10000x128xf32, #tpu.memory_space<hbm>> -> memref<10000x128xf32, #tpu.memory_space<hbm>>
      tpu.enqueue_indirect_dma source(%dma_start3A_257 : memref<10000x128xf32, #tpu.memory_space<hbm>>) target(%dma_start3A_251 : memref<32x128xf32, #tpu.memory_space<vmem>>) offsets(%dma_start3A_254 : memref<32xi32, #tpu.memory_space<vmem>>) semaphore(%arg15 : memref<!tpu.dma_semaphore, #tpu.memory_space<semaphore_mem>>)
      %dma_start3A_258 = arith.constant 0 : i32
      %dma_start3A_259 = arith.constant 96 : i32
      %dma_start3A_260 = arith.constant 0 : i32
      %dma_start3A_261 = tpu.memref_slice %arg7[%dma_start3A_259, %dma_start3A_260] : memref<128x128xf32, #tpu.memory_space<vmem>> -> memref<32x128xf32, #tpu.memory_space<vmem>>
      %dma_start3A_262 = arith.constant 96 : i32
      %dma_start3A_263 = tpu.memref_slice %arg5[%add3A_227, %dma_start3A_258, %dma_start3A_262] : memref<41x2x128xi32, #tpu.memory_space<vmem>> -> memref<1x1x32xi32, #tpu.memory_space<vmem>>
      %dma_start3A_264 = tpu.memref_squeeze %dma_start3A_263 : memref<1x1x32xi32, #tpu.memory_space<vmem>> -> memref<32xi32, #tpu.memory_space<vmem>>
      %dma_start3A_265 = arith.constant 0 : i32
      %dma_start3A_266 = arith.constant 0 : i32
      %dma_start3A_267 = tpu.memref_slice %arg2[%dma_start3A_265, %dma_start3A_266] : memref<10000x128xf32, #tpu.memory_space<hbm>> -> memref<10000x128xf32, #tpu.memory_space<hbm>>
      tpu.enqueue_indirect_dma source(%dma_start3A_267 : memref<10000x128xf32, #tpu.memory_space<hbm>>) target(%dma_start3A_261 : memref<32x128xf32, #tpu.memory_space<vmem>>) offsets(%dma_start3A_264 : memref<32xi32, #tpu.memory_space<vmem>>) semaphore(%arg16 : memref<!tpu.dma_semaphore, #tpu.memory_space<semaphore_mem>>)
      %dma_wait3A_268 = arith.constant 0 : i32
      %dma_wait3A_269 = arith.constant 0 : i32
      %dma_wait3A_270 = arith.constant 0 : i32
      %dma_wait3A_271 = tpu.memref_slice %arg6[%dma_wait3A_269, %dma_wait3A_270] : memref<128x128xf32, #tpu.memory_space<vmem>> -> memref<32x128xf32, #tpu.memory_space<vmem>>
      %dma_wait3A_272 = arith.constant 0 : i32
      %dma_wait3A_273 = tpu.memref_slice %arg5[%add3A_225, %dma_wait3A_268, %dma_wait3A_272] : memref<41x2x128xi32, #tpu.memory_space<vmem>> -> memref<1x1x32xi32, #tpu.memory_space<vmem>>
      %dma_wait3A_274 = tpu.memref_squeeze %dma_wait3A_273 : memref<1x1x32xi32, #tpu.memory_space<vmem>> -> memref<32xi32, #tpu.memory_space<vmem>>
      %dma_wait3A_275 = arith.constant 0 : i32
      %dma_wait3A_276 = arith.constant 0 : i32
      %dma_wait3A_277 = tpu.memref_slice %arg2[%dma_wait3A_275, %dma_wait3A_276] : memref<10000x128xf32, #tpu.memory_space<hbm>> -> memref<10000x128xf32, #tpu.memory_space<hbm>>
      tpu.wait_indirect_dma semaphore(%arg9 : memref<!tpu.dma_semaphore, #tpu.memory_space<semaphore_mem>>) src(%dma_wait3A_277 : memref<10000x128xf32, #tpu.memory_space<hbm>>) dst(%dma_wait3A_271 : memref<32x128xf32, #tpu.memory_space<vmem>>)
      %dma_wait3A_278 = arith.constant 0 : i32
      %dma_wait3A_279 = arith.constant 32 : i32
      %dma_wait3A_280 = arith.constant 0 : i32
      %dma_wait3A_281 = tpu.memref_slice %arg6[%dma_wait3A_279, %dma_wait3A_280] : memref<128x128xf32, #tpu.memory_space<vmem>> -> memref<32x128xf32, #tpu.memory_space<vmem>>
      %dma_wait3A_282 = arith.constant 32 : i32
      %dma_wait3A_283 = tpu.memref_slice %arg5[%add3A_225, %dma_wait3A_278, %dma_wait3A_282] : memref<41x2x128xi32, #tpu.memory_space<vmem>> -> memref<1x1x32xi32, #tpu.memory_space<vmem>>
      %dma_wait3A_284 = tpu.memref_squeeze %dma_wait3A_283 : memref<1x1x32xi32, #tpu.memory_space<vmem>> -> memref<32xi32, #tpu.memory_space<vmem>>
      %dma_wait3A_285 = arith.constant 0 : i32
      %dma_wait3A_286 = arith.constant 0 : i32
      %dma_wait3A_287 = tpu.memref_slice %arg2[%dma_wait3A_285, %dma_wait3A_286] : memref<10000x128xf32, #tpu.memory_space<hbm>> -> memref<10000x128xf32, #tpu.memory_space<hbm>>
      tpu.wait_indirect_dma semaphore(%arg10 : memref<!tpu.dma_semaphore, #tpu.memory_space<semaphore_mem>>) src(%dma_wait3A_287 : memref<10000x128xf32, #tpu.memory_space<hbm>>) dst(%dma_wait3A_281 : memref<32x128xf32, #tpu.memory_space<vmem>>)
      %dma_wait3A_288 = arith.constant 0 : i32
      %dma_wait3A_289 = arith.constant 64 : i32
      %dma_wait3A_290 = arith.constant 0 : i32
      %dma_wait3A_291 = tpu.memref_slice %arg6[%dma_wait3A_289, %dma_wait3A_290] : memref<128x128xf32, #tpu.memory_space<vmem>> -> memref<32x128xf32, #tpu.memory_space<vmem>>
      %dma_wait3A_292 = arith.constant 64 : i32
      %dma_wait3A_293 = tpu.memref_slice %arg5[%add3A_225, %dma_wait3A_288, %dma_wait3A_292] : memref<41x2x128xi32, #tpu.memory_space<vmem>> -> memref<1x1x32xi32, #tpu.memory_space<vmem>>
      %dma_wait3A_294 = tpu.memref_squeeze %dma_wait3A_293 : memref<1x1x32xi32, #tpu.memory_space<vmem>> -> memref<32xi32, #tpu.memory_space<vmem>>
      %dma_wait3A_295 = arith.constant 0 : i32
      %dma_wait3A_296 = arith.constant 0 : i32
      %dma_wait3A_297 = tpu.memref_slice %arg2[%dma_wait3A_295, %dma_wait3A_296] : memref<10000x128xf32, #tpu.memory_space<hbm>> -> memref<10000x128xf32, #tpu.memory_space<hbm>>
      tpu.wait_indirect_dma semaphore(%arg11 : memref<!tpu.dma_semaphore, #tpu.memory_space<semaphore_mem>>) src(%dma_wait3A_297 : memref<10000x128xf32, #tpu.memory_space<hbm>>) dst(%dma_wait3A_291 : memref<32x128xf32, #tpu.memory_space<vmem>>)
      %dma_wait3A_298 = arith.constant 0 : i32
      %dma_wait3A_299 = arith.constant 96 : i32
      %dma_wait3A_300 = arith.constant 0 : i32
      %dma_wait3A_301 = tpu.memref_slice %arg6[%dma_wait3A_299, %dma_wait3A_300] : memref<128x128xf32, #tpu.memory_space<vmem>> -> memref<32x128xf32, #tpu.memory_space<vmem>>
      %dma_wait3A_302 = arith.constant 96 : i32
      %dma_wait3A_303 = tpu.memref_slice %arg5[%add3A_225, %dma_wait3A_298, %dma_wait3A_302] : memref<41x2x128xi32, #tpu.memory_space<vmem>> -> memref<1x1x32xi32, #tpu.memory_space<vmem>>
      %dma_wait3A_304 = tpu.memref_squeeze %dma_wait3A_303 : memref<1x1x32xi32, #tpu.memory_space<vmem>> -> memref<32xi32, #tpu.memory_space<vmem>>
      %dma_wait3A_305 = arith.constant 0 : i32
      %dma_wait3A_306 = arith.constant 0 : i32
      %dma_wait3A_307 = tpu.memref_slice %arg2[%dma_wait3A_305, %dma_wait3A_306] : memref<10000x128xf32, #tpu.memory_space<hbm>> -> memref<10000x128xf32, #tpu.memory_space<hbm>>
      tpu.wait_indirect_dma semaphore(%arg12 : memref<!tpu.dma_semaphore, #tpu.memory_space<semaphore_mem>>) src(%dma_wait3A_307 : memref<10000x128xf32, #tpu.memory_space<hbm>>) dst(%dma_wait3A_301 : memref<32x128xf32, #tpu.memory_space<vmem>>)
      %run_scoped3A_308 = arith.constant 1 : i32
      "tpu.region"() ({
        %run_scoped3A_396 = tpu.sem_alloc : memref<!tpu.dma_semaphore, #tpu.memory_space<semaphore_mem>>
        %dma_start3A_397 = arith.constant 0 : i32
        %dma_start3A_398 = tpu.memref_slice %arg5[%add3A_225, %run_scoped3A_308, %dma_start3A_397] : memref<41x2x128xi32, #tpu.memory_space<vmem>> -> memref<1x1x128xi32, #tpu.memory_space<vmem>>
        %dma_start3A_399 = tpu.memref_squeeze %dma_start3A_398 : memref<1x1x128xi32, #tpu.memory_space<vmem>> -> memref<128xi32, #tpu.memory_space<vmem>>
        %dma_start3A_400 = arith.constant 0 : i32
        %dma_start3A_401 = arith.constant 0 : i32
        %dma_start3A_402 = tpu.memref_slice %arg8[%dma_start3A_400, %dma_start3A_401] : memref<10112x128xf32, #tpu.memory_space<vmem_shared>> -> memref<10112x128xf32, #tpu.memory_space<vmem_shared>>
        tpu.enqueue_indirect_dma source(%arg6 : memref<128x128xf32, #tpu.memory_space<vmem>>) target(%dma_start3A_402 : memref<10112x128xf32, #tpu.memory_space<vmem_shared>>) offsets(%dma_start3A_399 : memref<128xi32, #tpu.memory_space<vmem>>) semaphore(%run_scoped3A_396 : memref<!tpu.dma_semaphore, #tpu.memory_space<semaphore_mem>>) {add = true}
        %dma_wait3A_403 = arith.constant 0 : i32
        %dma_wait3A_404 = tpu.memref_slice %arg5[%add3A_225, %run_scoped3A_308, %dma_wait3A_403] : memref<41x2x128xi32, #tpu.memory_space<vmem>> -> memref<1x1x128xi32, #tpu.memory_space<vmem>>
        %dma_wait3A_405 = tpu.memref_squeeze %dma_wait3A_404 : memref<1x1x128xi32, #tpu.memory_space<vmem>> -> memref<128xi32, #tpu.memory_space<vmem>>
        %dma_wait3A_406 = arith.constant 0 : i32
        %dma_wait3A_407 = arith.constant 0 : i32
        %dma_wait3A_408 = tpu.memref_slice %arg8[%dma_wait3A_406, %dma_wait3A_407] : memref<10112x128xf32, #tpu.memory_space<vmem_shared>> -> memref<10112x128xf32, #tpu.memory_space<vmem_shared>>
        tpu.wait_indirect_dma semaphore(%run_scoped3A_396 : memref<!tpu.dma_semaphore, #tpu.memory_space<semaphore_mem>>) src(%arg6 : memref<128x128xf32, #tpu.memory_space<vmem>>) dst(%dma_wait3A_408 : memref<10112x128xf32, #tpu.memory_space<vmem_shared>>)
        tpu.yield
      }) : () -> ()
      %mul3A_309 = arith.constant 2 : i32
      %mul3A_310 = arith.muli %scan3A_221, %mul3A_309 : i32
      %add3A_311 = arith.constant 1 : i32
      %add3A_312 = arith.addi %mul3A_310, %add3A_311 : i32
      %add3A_313 = arith.constant 1 : i32
      %add3A_314 = arith.addi %add3A_312, %add3A_313 : i32
      %dma_start3A_315 = arith.constant 0 : i32
      %dma_start3A_316 = arith.constant 0 : i32
      %dma_start3A_317 = arith.constant 0 : i32
      %dma_start3A_318 = tpu.memref_slice %arg6[%dma_start3A_316, %dma_start3A_317] : memref<128x128xf32, #tpu.memory_space<vmem>> -> memref<32x128xf32, #tpu.memory_space<vmem>>
      %dma_start3A_319 = arith.constant 0 : i32
      %dma_start3A_320 = tpu.memref_slice %arg5[%add3A_314, %dma_start3A_315, %dma_start3A_319] : memref<41x2x128xi32, #tpu.memory_space<vmem>> -> memref<1x1x32xi32, #tpu.memory_space<vmem>>
      %dma_start3A_321 = tpu.memref_squeeze %dma_start3A_320 : memref<1x1x32xi32, #tpu.memory_space<vmem>> -> memref<32xi32, #tpu.memory_space<vmem>>
      %dma_start3A_322 = arith.constant 0 : i32
      %dma_start3A_323 = arith.constant 0 : i32
      %dma_start3A_324 = tpu.memref_slice %arg2[%dma_start3A_322, %dma_start3A_323] : memref<10000x128xf32, #tpu.memory_space<hbm>> -> memref<10000x128xf32, #tpu.memory_space<hbm>>
      tpu.enqueue_indirect_dma source(%dma_start3A_324 : memref<10000x128xf32, #tpu.memory_space<hbm>>) target(%dma_start3A_318 : memref<32x128xf32, #tpu.memory_space<vmem>>) offsets(%dma_start3A_321 : memref<32xi32, #tpu.memory_space<vmem>>) semaphore(%arg9 : memref<!tpu.dma_semaphore, #tpu.memory_space<semaphore_mem>>)
      %dma_start3A_325 = arith.constant 0 : i32
      %dma_start3A_326 = arith.constant 32 : i32
      %dma_start3A_327 = arith.constant 0 : i32
      %dma_start3A_328 = tpu.memref_slice %arg6[%dma_start3A_326, %dma_start3A_327] : memref<128x128xf32, #tpu.memory_space<vmem>> -> memref<32x128xf32, #tpu.memory_space<vmem>>
      %dma_start3A_329 = arith.constant 32 : i32
      %dma_start3A_330 = tpu.memref_slice %arg5[%add3A_314, %dma_start3A_325, %dma_start3A_329] : memref<41x2x128xi32, #tpu.memory_space<vmem>> -> memref<1x1x32xi32, #tpu.memory_space<vmem>>
      %dma_start3A_331 = tpu.memref_squeeze %dma_start3A_330 : memref<1x1x32xi32, #tpu.memory_space<vmem>> -> memref<32xi32, #tpu.memory_space<vmem>>
      %dma_start3A_332 = arith.constant 0 : i32
      %dma_start3A_333 = arith.constant 0 : i32
      %dma_start3A_334 = tpu.memref_slice %arg2[%dma_start3A_332, %dma_start3A_333] : memref<10000x128xf32, #tpu.memory_space<hbm>> -> memref<10000x128xf32, #tpu.memory_space<hbm>>
      tpu.enqueue_indirect_dma source(%dma_start3A_334 : memref<10000x128xf32, #tpu.memory_space<hbm>>) target(%dma_start3A_328 : memref<32x128xf32, #tpu.memory_space<vmem>>) offsets(%dma_start3A_331 : memref<32xi32, #tpu.memory_space<vmem>>) semaphore(%arg10 : memref<!tpu.dma_semaphore, #tpu.memory_space<semaphore_mem>>)
      %dma_start3A_335 = arith.constant 0 : i32
      %dma_start3A_336 = arith.constant 64 : i32
      %dma_start3A_337 = arith.constant 0 : i32
      %dma_start3A_338 = tpu.memref_slice %arg6[%dma_start3A_336, %dma_start3A_337] : memref<128x128xf32, #tpu.memory_space<vmem>> -> memref<32x128xf32, #tpu.memory_space<vmem>>
      %dma_start3A_339 = arith.constant 64 : i32
      %dma_start3A_340 = tpu.memref_slice %arg5[%add3A_314, %dma_start3A_335, %dma_start3A_339] : memref<41x2x128xi32, #tpu.memory_space<vmem>> -> memref<1x1x32xi32, #tpu.memory_space<vmem>>
      %dma_start3A_341 = tpu.memref_squeeze %dma_start3A_340 : memref<1x1x32xi32, #tpu.memory_space<vmem>> -> memref<32xi32, #tpu.memory_space<vmem>>
      %dma_start3A_342 = arith.constant 0 : i32
      %dma_start3A_343 = arith.constant 0 : i32
      %dma_start3A_344 = tpu.memref_slice %arg2[%dma_start3A_342, %dma_start3A_343] : memref<10000x128xf32, #tpu.memory_space<hbm>> -> memref<10000x128xf32, #tpu.memory_space<hbm>>
      tpu.enqueue_indirect_dma source(%dma_start3A_344 : memref<10000x128xf32, #tpu.memory_space<hbm>>) target(%dma_start3A_338 : memref<32x128xf32, #tpu.memory_space<vmem>>) offsets(%dma_start3A_341 : memref<32xi32, #tpu.memory_space<vmem>>) semaphore(%arg11 : memref<!tpu.dma_semaphore, #tpu.memory_space<semaphore_mem>>)
      %dma_start3A_345 = arith.constant 0 : i32
      %dma_start3A_346 = arith.constant 96 : i32
      %dma_start3A_347 = arith.constant 0 : i32
      %dma_start3A_348 = tpu.memref_slice %arg6[%dma_start3A_346, %dma_start3A_347] : memref<128x128xf32, #tpu.memory_space<vmem>> -> memref<32x128xf32, #tpu.memory_space<vmem>>
      %dma_start3A_349 = arith.constant 96 : i32
      %dma_start3A_350 = tpu.memref_slice %arg5[%add3A_314, %dma_start3A_345, %dma_start3A_349] : memref<41x2x128xi32, #tpu.memory_space<vmem>> -> memref<1x1x32xi32, #tpu.memory_space<vmem>>
      %dma_start3A_351 = tpu.memref_squeeze %dma_start3A_350 : memref<1x1x32xi32, #tpu.memory_space<vmem>> -> memref<32xi32, #tpu.memory_space<vmem>>
      %dma_start3A_352 = arith.constant 0 : i32
      %dma_start3A_353 = arith.constant 0 : i32
      %dma_start3A_354 = tpu.memref_slice %arg2[%dma_start3A_352, %dma_start3A_353] : memref<10000x128xf32, #tpu.memory_space<hbm>> -> memref<10000x128xf32, #tpu.memory_space<hbm>>
      tpu.enqueue_indirect_dma source(%dma_start3A_354 : memref<10000x128xf32, #tpu.memory_space<hbm>>) target(%dma_start3A_348 : memref<32x128xf32, #tpu.memory_space<vmem>>) offsets(%dma_start3A_351 : memref<32xi32, #tpu.memory_space<vmem>>) semaphore(%arg12 : memref<!tpu.dma_semaphore, #tpu.memory_space<semaphore_mem>>)
      %dma_wait3A_355 = arith.constant 0 : i32
      %dma_wait3A_356 = arith.constant 0 : i32
      %dma_wait3A_357 = arith.constant 0 : i32
      %dma_wait3A_358 = tpu.memref_slice %arg7[%dma_wait3A_356, %dma_wait3A_357] : memref<128x128xf32, #tpu.memory_space<vmem>> -> memref<32x128xf32, #tpu.memory_space<vmem>>
      %dma_wait3A_359 = arith.constant 0 : i32
      %dma_wait3A_360 = tpu.memref_slice %arg5[%add3A_312, %dma_wait3A_355, %dma_wait3A_359] : memref<41x2x128xi32, #tpu.memory_space<vmem>> -> memref<1x1x32xi32, #tpu.memory_space<vmem>>
      %dma_wait3A_361 = tpu.memref_squeeze %dma_wait3A_360 : memref<1x1x32xi32, #tpu.memory_space<vmem>> -> memref<32xi32, #tpu.memory_space<vmem>>
      %dma_wait3A_362 = arith.constant 0 : i32
      %dma_wait3A_363 = arith.constant 0 : i32
      %dma_wait3A_364 = tpu.memref_slice %arg2[%dma_wait3A_362, %dma_wait3A_363] : memref<10000x128xf32, #tpu.memory_space<hbm>> -> memref<10000x128xf32, #tpu.memory_space<hbm>>
      tpu.wait_indirect_dma semaphore(%arg13 : memref<!tpu.dma_semaphore, #tpu.memory_space<semaphore_mem>>) src(%dma_wait3A_364 : memref<10000x128xf32, #tpu.memory_space<hbm>>) dst(%dma_wait3A_358 : memref<32x128xf32, #tpu.memory_space<vmem>>)
      %dma_wait3A_365 = arith.constant 0 : i32
      %dma_wait3A_366 = arith.constant 32 : i32
      %dma_wait3A_367 = arith.constant 0 : i32
      %dma_wait3A_368 = tpu.memref_slice %arg7[%dma_wait3A_366, %dma_wait3A_367] : memref<128x128xf32, #tpu.memory_space<vmem>> -> memref<32x128xf32, #tpu.memory_space<vmem>>
      %dma_wait3A_369 = arith.constant 32 : i32
      %dma_wait3A_370 = tpu.memref_slice %arg5[%add3A_312, %dma_wait3A_365, %dma_wait3A_369] : memref<41x2x128xi32, #tpu.memory_space<vmem>> -> memref<1x1x32xi32, #tpu.memory_space<vmem>>
      %dma_wait3A_371 = tpu.memref_squeeze %dma_wait3A_370 : memref<1x1x32xi32, #tpu.memory_space<vmem>> -> memref<32xi32, #tpu.memory_space<vmem>>
      %dma_wait3A_372 = arith.constant 0 : i32
      %dma_wait3A_373 = arith.constant 0 : i32
      %dma_wait3A_374 = tpu.memref_slice %arg2[%dma_wait3A_372, %dma_wait3A_373] : memref<10000x128xf32, #tpu.memory_space<hbm>> -> memref<10000x128xf32, #tpu.memory_space<hbm>>
      tpu.wait_indirect_dma semaphore(%arg14 : memref<!tpu.dma_semaphore, #tpu.memory_space<semaphore_mem>>) src(%dma_wait3A_374 : memref<10000x128xf32, #tpu.memory_space<hbm>>) dst(%dma_wait3A_368 : memref<32x128xf32, #tpu.memory_space<vmem>>)
      %dma_wait3A_375 = arith.constant 0 : i32
      %dma_wait3A_376 = arith.constant 64 : i32
      %dma_wait3A_377 = arith.constant 0 : i32
      %dma_wait3A_378 = tpu.memref_slice %arg7[%dma_wait3A_376, %dma_wait3A_377] : memref<128x128xf32, #tpu.memory_space<vmem>> -> memref<32x128xf32, #tpu.memory_space<vmem>>
      %dma_wait3A_379 = arith.constant 64 : i32
      %dma_wait3A_380 = tpu.memref_slice %arg5[%add3A_312, %dma_wait3A_375, %dma_wait3A_379] : memref<41x2x128xi32, #tpu.memory_space<vmem>> -> memref<1x1x32xi32, #tpu.memory_space<vmem>>
      %dma_wait3A_381 = tpu.memref_squeeze %dma_wait3A_380 : memref<1x1x32xi32, #tpu.memory_space<vmem>> -> memref<32xi32, #tpu.memory_space<vmem>>
      %dma_wait3A_382 = arith.constant 0 : i32
      %dma_wait3A_383 = arith.constant 0 : i32
      %dma_wait3A_384 = tpu.memref_slice %arg2[%dma_wait3A_382, %dma_wait3A_383] : memref<10000x128xf32, #tpu.memory_space<hbm>> -> memref<10000x128xf32, #tpu.memory_space<hbm>>
      tpu.wait_indirect_dma semaphore(%arg15 : memref<!tpu.dma_semaphore, #tpu.memory_space<semaphore_mem>>) src(%dma_wait3A_384 : memref<10000x128xf32, #tpu.memory_space<hbm>>) dst(%dma_wait3A_378 : memref<32x128xf32, #tpu.memory_space<vmem>>)
      %dma_wait3A_385 = arith.constant 0 : i32
      %dma_wait3A_386 = arith.constant 96 : i32
      %dma_wait3A_387 = arith.constant 0 : i32
      %dma_wait3A_388 = tpu.memref_slice %arg7[%dma_wait3A_386, %dma_wait3A_387] : memref<128x128xf32, #tpu.memory_space<vmem>> -> memref<32x128xf32, #tpu.memory_space<vmem>>
      %dma_wait3A_389 = arith.constant 96 : i32
      %dma_wait3A_390 = tpu.memref_slice %arg5[%add3A_312, %dma_wait3A_385, %dma_wait3A_389] : memref<41x2x128xi32, #tpu.memory_space<vmem>> -> memref<1x1x32xi32, #tpu.memory_space<vmem>>
      %dma_wait3A_391 = tpu.memref_squeeze %dma_wait3A_390 : memref<1x1x32xi32, #tpu.memory_space<vmem>> -> memref<32xi32, #tpu.memory_space<vmem>>
      %dma_wait3A_392 = arith.constant 0 : i32
      %dma_wait3A_393 = arith.constant 0 : i32
      %dma_wait3A_394 = tpu.memref_slice %arg2[%dma_wait3A_392, %dma_wait3A_393] : memref<10000x128xf32, #tpu.memory_space<hbm>> -> memref<10000x128xf32, #tpu.memory_space<hbm>>
      tpu.wait_indirect_dma semaphore(%arg16 : memref<!tpu.dma_semaphore, #tpu.memory_space<semaphore_mem>>) src(%dma_wait3A_394 : memref<10000x128xf32, #tpu.memory_space<hbm>>) dst(%dma_wait3A_388 : memref<32x128xf32, #tpu.memory_space<vmem>>)
      %run_scoped3A_395 = arith.constant 1 : i32
      "tpu.region"() ({
        %run_scoped3A_396 = tpu.sem_alloc : memref<!tpu.dma_semaphore, #tpu.memory_space<semaphore_mem>>
        %dma_start3A_397 = arith.constant 0 : i32
        %dma_start3A_398 = tpu.memref_slice %arg5[%add3A_312, %run_scoped3A_395, %dma_start3A_397] : memref<41x2x128xi32, #tpu.memory_space<vmem>> -> memref<1x1x128xi32, #tpu.memory_space<vmem>>
        %dma_start3A_399 = tpu.memref_squeeze %dma_start3A_398 : memref<1x1x128xi32, #tpu.memory_space<vmem>> -> memref<128xi32, #tpu.memory_space<vmem>>
        %dma_start3A_400 = arith.constant 0 : i32
        %dma_start3A_401 = arith.constant 0 : i32
        %dma_start3A_402 = tpu.memref_slice %arg8[%dma_start3A_400, %dma_start3A_401] : memref<10112x128xf32, #tpu.memory_space<vmem_shared>> -> memref<10112x128xf32, #tpu.memory_space<vmem_shared>>
        tpu.enqueue_indirect_dma source(%arg7 : memref<128x128xf32, #tpu.memory_space<vmem>>) target(%dma_start3A_402 : memref<10112x128xf32, #tpu.memory_space<vmem_shared>>) offsets(%dma_start3A_399 : memref<128xi32, #tpu.memory_space<vmem>>) semaphore(%run_scoped3A_396 : memref<!tpu.dma_semaphore, #tpu.memory_space<semaphore_mem>>) {add = true}
        %dma_wait3A_403 = arith.constant 0 : i32
        %dma_wait3A_404 = tpu.memref_slice %arg5[%add3A_312, %run_scoped3A_395, %dma_wait3A_403] : memref<41x2x128xi32, #tpu.memory_space<vmem>> -> memref<1x1x128xi32, #tpu.memory_space<vmem>>
        %dma_wait3A_405 = tpu.memref_squeeze %dma_wait3A_404 : memref<1x1x128xi32, #tpu.memory_space<vmem>> -> memref<128xi32, #tpu.memory_space<vmem>>
        %dma_wait3A_406 = arith.constant 0 : i32
        %dma_wait3A_407 = arith.constant 0 : i32
        %dma_wait3A_408 = tpu.memref_slice %arg8[%dma_wait3A_406, %dma_wait3A_407] : memref<10112x128xf32, #tpu.memory_space<vmem_shared>> -> memref<10112x128xf32, #tpu.memory_space<vmem_shared>>
        tpu.wait_indirect_dma semaphore(%run_scoped3A_396 : memref<!tpu.dma_semaphore, #tpu.memory_space<semaphore_mem>>) src(%arg7 : memref<128x128xf32, #tpu.memory_space<vmem>>) dst(%dma_wait3A_408 : memref<10112x128xf32, #tpu.memory_space<vmem_shared>>)
        tpu.yield
      }) : () -> ()
    }
    %scan3A_169 = arith.constant 20 : i32
    %dma_wait3A_170 = arith.constant 40 : i32
    %dma_wait3A_171 = arith.constant 0 : i32
    %dma_wait3A_172 = arith.constant 0 : i32
    %dma_wait3A_173 = arith.constant 0 : i32
    %dma_wait3A_174 = tpu.memref_slice %arg6[%dma_wait3A_172, %dma_wait3A_173] : memref<128x128xf32, #tpu.memory_space<vmem>> -> memref<32x128xf32, #tpu.memory_space<vmem>>
    %dma_wait3A_175 = arith.constant 0 : i32
    %dma_wait3A_176 = tpu.memref_slice %arg5[%dma_wait3A_170, %dma_wait3A_171, %dma_wait3A_175] : memref<41x2x128xi32, #tpu.memory_space<vmem>> -> memref<1x1x32xi32, #tpu.memory_space<vmem>>
    %dma_wait3A_177 = tpu.memref_squeeze %dma_wait3A_176 : memref<1x1x32xi32, #tpu.memory_space<vmem>> -> memref<32xi32, #tpu.memory_space<vmem>>
    %dma_wait3A_178 = arith.constant 0 : i32
    %dma_wait3A_179 = arith.constant 0 : i32
    %dma_wait3A_180 = tpu.memref_slice %arg2[%dma_wait3A_178, %dma_wait3A_179] : memref<10000x128xf32, #tpu.memory_space<hbm>> -> memref<10000x128xf32, #tpu.memory_space<hbm>>
    tpu.wait_indirect_dma semaphore(%arg9 : memref<!tpu.dma_semaphore, #tpu.memory_space<semaphore_mem>>) src(%dma_wait3A_180 : memref<10000x128xf32, #tpu.memory_space<hbm>>) dst(%dma_wait3A_174 : memref<32x128xf32, #tpu.memory_space<vmem>>)
    %dma_wait3A_181 = arith.constant 40 : i32
    %dma_wait3A_182 = arith.constant 0 : i32
    %dma_wait3A_183 = arith.constant 32 : i32
    %dma_wait3A_184 = arith.constant 0 : i32
    %dma_wait3A_185 = tpu.memref_slice %arg6[%dma_wait3A_183, %dma_wait3A_184] : memref<128x128xf32, #tpu.memory_space<vmem>> -> memref<32x128xf32, #tpu.memory_space<vmem>>
    %dma_wait3A_186 = arith.constant 32 : i32
    %dma_wait3A_187 = tpu.memref_slice %arg5[%dma_wait3A_181, %dma_wait3A_182, %dma_wait3A_186] : memref<41x2x128xi32, #tpu.memory_space<vmem>> -> memref<1x1x32xi32, #tpu.memory_space<vmem>>
    %dma_wait3A_188 = tpu.memref_squeeze %dma_wait3A_187 : memref<1x1x32xi32, #tpu.memory_space<vmem>> -> memref<32xi32, #tpu.memory_space<vmem>>
    %dma_wait3A_189 = arith.constant 0 : i32
    %dma_wait3A_190 = arith.constant 0 : i32
    %dma_wait3A_191 = tpu.memref_slice %arg2[%dma_wait3A_189, %dma_wait3A_190] : memref<10000x128xf32, #tpu.memory_space<hbm>> -> memref<10000x128xf32, #tpu.memory_space<hbm>>
    tpu.wait_indirect_dma semaphore(%arg10 : memref<!tpu.dma_semaphore, #tpu.memory_space<semaphore_mem>>) src(%dma_wait3A_191 : memref<10000x128xf32, #tpu.memory_space<hbm>>) dst(%dma_wait3A_185 : memref<32x128xf32, #tpu.memory_space<vmem>>)
    %dma_wait3A_192 = arith.constant 40 : i32
    %dma_wait3A_193 = arith.constant 0 : i32
    %dma_wait3A_194 = arith.constant 64 : i32
    %dma_wait3A_195 = arith.constant 0 : i32
    %dma_wait3A_196 = tpu.memref_slice %arg6[%dma_wait3A_194, %dma_wait3A_195] : memref<128x128xf32, #tpu.memory_space<vmem>> -> memref<32x128xf32, #tpu.memory_space<vmem>>
    %dma_wait3A_197 = arith.constant 64 : i32
    %dma_wait3A_198 = tpu.memref_slice %arg5[%dma_wait3A_192, %dma_wait3A_193, %dma_wait3A_197] : memref<41x2x128xi32, #tpu.memory_space<vmem>> -> memref<1x1x32xi32, #tpu.memory_space<vmem>>
    %dma_wait3A_199 = tpu.memref_squeeze %dma_wait3A_198 : memref<1x1x32xi32, #tpu.memory_space<vmem>> -> memref<32xi32, #tpu.memory_space<vmem>>
    %dma_wait3A_200 = arith.constant 0 : i32
    %dma_wait3A_201 = arith.constant 0 : i32
    %dma_wait3A_202 = tpu.memref_slice %arg2[%dma_wait3A_200, %dma_wait3A_201] : memref<10000x128xf32, #tpu.memory_space<hbm>> -> memref<10000x128xf32, #tpu.memory_space<hbm>>
    tpu.wait_indirect_dma semaphore(%arg11 : memref<!tpu.dma_semaphore, #tpu.memory_space<semaphore_mem>>) src(%dma_wait3A_202 : memref<10000x128xf32, #tpu.memory_space<hbm>>) dst(%dma_wait3A_196 : memref<32x128xf32, #tpu.memory_space<vmem>>)
    %dma_wait3A_203 = arith.constant 40 : i32
    %dma_wait3A_204 = arith.constant 0 : i32
    %dma_wait3A_205 = arith.constant 96 : i32
    %dma_wait3A_206 = arith.constant 0 : i32
    %dma_wait3A_207 = tpu.memref_slice %arg6[%dma_wait3A_205, %dma_wait3A_206] : memref<128x128xf32, #tpu.memory_space<vmem>> -> memref<32x128xf32, #tpu.memory_space<vmem>>
    %dma_wait3A_208 = arith.constant 96 : i32
    %dma_wait3A_209 = tpu.memref_slice %arg5[%dma_wait3A_203, %dma_wait3A_204, %dma_wait3A_208] : memref<41x2x128xi32, #tpu.memory_space<vmem>> -> memref<1x1x32xi32, #tpu.memory_space<vmem>>
    %dma_wait3A_210 = tpu.memref_squeeze %dma_wait3A_209 : memref<1x1x32xi32, #tpu.memory_space<vmem>> -> memref<32xi32, #tpu.memory_space<vmem>>
    %dma_wait3A_211 = arith.constant 0 : i32
    %dma_wait3A_212 = arith.constant 0 : i32
    %dma_wait3A_213 = tpu.memref_slice %arg2[%dma_wait3A_211, %dma_wait3A_212] : memref<10000x128xf32, #tpu.memory_space<hbm>> -> memref<10000x128xf32, #tpu.memory_space<hbm>>
    tpu.wait_indirect_dma semaphore(%arg12 : memref<!tpu.dma_semaphore, #tpu.memory_space<semaphore_mem>>) src(%dma_wait3A_213 : memref<10000x128xf32, #tpu.memory_space<hbm>>) dst(%dma_wait3A_207 : memref<32x128xf32, #tpu.memory_space<vmem>>)
    %run_scoped3A_214 = arith.constant 40 : i32
    %run_scoped3A_215 = arith.constant 1 : i32
    "tpu.region"() ({
      %run_scoped3A_221 = tpu.sem_alloc : memref<!tpu.dma_semaphore, #tpu.memory_space<semaphore_mem>>
      %dma_start3A_222 = arith.constant 0 : i32
      %dma_start3A_223 = tpu.memref_slice %arg5[%run_scoped3A_214, %run_scoped3A_215, %dma_start3A_222] : memref<41x2x128xi32, #tpu.memory_space<vmem>> -> memref<1x1x128xi32, #tpu.memory_space<vmem>>
      %dma_start3A_224 = tpu.memref_squeeze %dma_start3A_223 : memref<1x1x128xi32, #tpu.memory_space<vmem>> -> memref<128xi32, #tpu.memory_space<vmem>>
      %dma_start3A_225 = arith.constant 0 : i32
      %dma_start3A_226 = arith.constant 0 : i32
      %dma_start3A_227 = tpu.memref_slice %arg8[%dma_start3A_225, %dma_start3A_226] : memref<10112x128xf32, #tpu.memory_space<vmem_shared>> -> memref<10112x128xf32, #tpu.memory_space<vmem_shared>>
      tpu.enqueue_indirect_dma source(%arg6 : memref<128x128xf32, #tpu.memory_space<vmem>>) target(%dma_start3A_227 : memref<10112x128xf32, #tpu.memory_space<vmem_shared>>) offsets(%dma_start3A_224 : memref<128xi32, #tpu.memory_space<vmem>>) semaphore(%run_scoped3A_221 : memref<!tpu.dma_semaphore, #tpu.memory_space<semaphore_mem>>) {add = true}
      %dma_wait3A_228 = arith.constant 0 : i32
      %dma_wait3A_229 = tpu.memref_slice %arg5[%run_scoped3A_214, %run_scoped3A_215, %dma_wait3A_228] : memref<41x2x128xi32, #tpu.memory_space<vmem>> -> memref<1x1x128xi32, #tpu.memory_space<vmem>>
      %dma_wait3A_230 = tpu.memref_squeeze %dma_wait3A_229 : memref<1x1x128xi32, #tpu.memory_space<vmem>> -> memref<128xi32, #tpu.memory_space<vmem>>
      %dma_wait3A_231 = arith.constant 0 : i32
      %dma_wait3A_232 = arith.constant 0 : i32
      %dma_wait3A_233 = tpu.memref_slice %arg8[%dma_wait3A_231, %dma_wait3A_232] : memref<10112x128xf32, #tpu.memory_space<vmem_shared>> -> memref<10112x128xf32, #tpu.memory_space<vmem_shared>>
      tpu.wait_indirect_dma semaphore(%run_scoped3A_221 : memref<!tpu.dma_semaphore, #tpu.memory_space<semaphore_mem>>) src(%arg6 : memref<128x128xf32, #tpu.memory_space<vmem>>) dst(%dma_wait3A_233 : memref<10112x128xf32, #tpu.memory_space<vmem_shared>>)
      tpu.yield
    }) : () -> ()
    %barrier3A_216 = arith.constant 0 : index
    tpu.barrier barrier_id(%barrier3A_216)
    %mul3A_217 = arith.constant 632 : i32
    %mul3A_218 = arith.muli %arg1, %mul3A_217 : i32
    %mul3A_219 = arith.constant 632 : i32
    %mul3A_220 = arith.muli %arg1, %mul3A_219 : i32
    "tpu.region"() ({
      %run_scoped3A_221 = tpu.sem_alloc : memref<!tpu.dma_semaphore, #tpu.memory_space<semaphore_mem>>
      %dma_start3A_222 = arith.constant 0 : i32
      %dma_start3A_223 = tpu.memref_slice %arg4[%arg0, %mul3A_220, %dma_start3A_222] : memref<2x10112x128xf32, #tpu.memory_space<hbm>> -> memref<1x632x128xf32, #tpu.memory_space<hbm>>
      %dma_start3A_224 = tpu.memref_squeeze %dma_start3A_223 : memref<1x632x128xf32, #tpu.memory_space<hbm>> -> memref<632x128xf32, #tpu.memory_space<hbm>>
      %dma_start3A_225 = arith.constant 0 : i32
      %dma_start3A_226 = tpu.memref_slice %arg8[%mul3A_218, %dma_start3A_225] : memref<10112x128xf32, #tpu.memory_space<vmem_shared>> -> memref<632x128xf32, #tpu.memory_space<vmem_shared>>
      tpu.enqueue_dma source(%dma_start3A_226 : memref<632x128xf32, #tpu.memory_space<vmem_shared>>) target(%dma_start3A_224 : memref<632x128xf32, #tpu.memory_space<hbm>>) target_semaphore(%run_scoped3A_221 : memref<!tpu.dma_semaphore, #tpu.memory_space<semaphore_mem>>)
      %dma_wait3A_227 = arith.constant 0 : i32
      %dma_wait3A_228 = tpu.memref_slice %arg4[%arg0, %mul3A_220, %dma_wait3A_227] : memref<2x10112x128xf32, #tpu.memory_space<hbm>> -> memref<1x632x128xf32, #tpu.memory_space<hbm>>
      %dma_wait3A_229 = tpu.memref_squeeze %dma_wait3A_228 : memref<1x632x128xf32, #tpu.memory_space<hbm>> -> memref<632x128xf32, #tpu.memory_space<hbm>>
      %dma_wait3A_230 = arith.constant 0 : i32
      %dma_wait3A_231 = tpu.memref_slice %arg8[%mul3A_218, %dma_wait3A_230] : memref<10112x128xf32, #tpu.memory_space<vmem_shared>> -> memref<632x128xf32, #tpu.memory_space<vmem_shared>>
      tpu.wait_dma2 semaphore(%run_scoped3A_221 : memref<!tpu.dma_semaphore, #tpu.memory_space<semaphore_mem>>) src(%dma_wait3A_231 : memref<632x128xf32, #tpu.memory_space<vmem_shared>>) dst(%dma_wait3A_229 : memref<632x128xf32, #tpu.memory_space<hbm>>)
      tpu.yield
    }) : () -> ()
    return
  }
}

module attributes {stable_mosaic.version = 14 : i64} {
  func.func @_tc_body(%arg0: i32, %arg1: memref<2x2000x128xf32, #tpu.memory_space<vmem>>, %arg2: memref<128x256xf32, #tpu.memory_space<vmem>>, %arg3: memref<2000x128xf32, #tpu.memory_space<vmem>>, %arg4: memref<2000x128xf32, #tpu.memory_space<vmem>>) attributes {dimension_semantics = [#tpu.dimension_semantics<arbitrary>], iteration_bounds = array<i64: 5>, scalar_prefetch = 0 : i64, scratch_operands = 0 : i64, tpu.core_type = #tpu.core_type<tc>, window_params = [{transform_indices = @transform_0, window_bounds = array<i64: 2, 2000, 128>}, {pipeline_mode = #tpu.pipeline_mode<synchronous>, transform_indices = @transform_1, window_bounds = array<i64: 128, 256>}, {transform_indices = @transform_2, window_bounds = array<i64: 2000, 128>}, {transform_indices = @transform_3, window_bounds = array<i64: 2000, 128>}]} {
    %get3A = arith.constant 0 : index
    %get3A_0 = arith.constant 0 : index
    %get3A_1 = arith.constant 0 : index
    %get3A_2 = vector.load %arg1[%get3A, %get3A_0, %get3A_1] : memref<2x2000x128xf32, #tpu.memory_space<vmem>>, vector<1x2000x128xf32>
    %get3A_3 = vector.shape_cast %get3A_2 : vector<1x2000x128xf32> to vector<2000x128xf32>
    %get3A_4 = arith.constant 1 : index
    %get3A_5 = arith.constant 0 : index
    %get3A_6 = arith.constant 0 : index
    %get3A_7 = vector.load %arg1[%get3A_4, %get3A_5, %get3A_6] : memref<2x2000x128xf32, #tpu.memory_space<vmem>>, vector<1x2000x128xf32>
    %get3A_8 = vector.shape_cast %get3A_7 : vector<1x2000x128xf32> to vector<2000x128xf32>
    %add3A = arith.addf %get3A_3, %get3A_8 : vector<2000x128xf32>
    %get3A_9 = arith.constant 0 : index
    %get3A_10 = arith.constant 0 : index
    %get3A_11 = vector.load %arg2[%get3A_9, %get3A_10] : memref<128x256xf32, #tpu.memory_space<vmem>>, vector<128x256xf32>
    %dot_general3A = arith.constant dense<0.000000e+00> : vector<2000x256xf32>
    %dot_general3A_12 = tpu.matmul %add3A, %get3A_11, %dot_general3A {dimension_numbers = #tpu.dot_dimension_numbers<[1], [0], [0], [1], [0, 0, 1, 1], [], []>, transpose_lhs_hint = false} : vector<2000x128xf32>, vector<128x256xf32>, vector<2000x256xf32> -> vector<2000x256xf32>
    %slice3A = vector.extract_strided_slice %dot_general3A_12 {offsets = [0, 0], sizes = [2000, 128], strides = [1, 1]} : vector<2000x256xf32> to vector<2000x128xf32>
    %swap3A = arith.constant 0 : index
    %swap3A_13 = arith.constant 0 : index
    %swap3A_14 = vector.load %arg3[%swap3A, %swap3A_13] : memref<2000x128xf32, #tpu.memory_space<vmem>>, vector<2000x128xf32>
    tpu.vector_store %arg3[%swap3A, %swap3A_13], %slice3A {strides = array<i32>} : memref<2000x128xf32, #tpu.memory_space<vmem>>, vector<2000x128xf32>,
    %slice3A_15 = vector.extract_strided_slice %dot_general3A_12 {offsets = [0, 128], sizes = [2000, 128], strides = [1, 1]} : vector<2000x256xf32> to vector<2000x128xf32>
    %logistic3A = arith.negf %slice3A_15 : vector<2000x128xf32>
    %logistic3A_16 = math.exp %logistic3A : vector<2000x128xf32>
    %logistic3A_17 = arith.constant 1.000000e+00 : f32
    %logistic3A_18 = vector.broadcast %logistic3A_17 : f32 to vector<2000x128xf32>
    %logistic3A_19 = arith.addf %logistic3A_18, %logistic3A_16 : vector<2000x128xf32>
    %logistic3A_20 = arith.divf %logistic3A_18, %logistic3A_19 : vector<2000x128xf32>
    %swap3A_21 = arith.constant 0 : index
    %swap3A_22 = arith.constant 0 : index
    %swap3A_23 = vector.load %arg4[%swap3A_21, %swap3A_22] : memref<2000x128xf32, #tpu.memory_space<vmem>>, vector<2000x128xf32>
    tpu.vector_store %arg4[%swap3A_21, %swap3A_22], %logistic3A_20 {strides = array<i32>} : memref<2000x128xf32, #tpu.memory_space<vmem>>, vector<2000x128xf32>,
    return
  }
  func.func @transform_0(%arg0: i32) -> (i32, i32, i32) {
    %c0_i32 = arith.constant 0 : i32
    %c0_i32_0 = arith.constant 0 : i32
    %c0_i32_1 = arith.constant 0 : i32
    return %c0_i32, %arg0, %c0_i32_0 : i32, i32, i32
  }
  func.func @transform_1(%arg0: i32) -> (i32, i32) {
    %c0_i32 = arith.constant 0 : i32
    %c0_i32_0 = arith.constant 0 : i32
    %c0_i32_1 = arith.constant 0 : i32
    return %c0_i32, %c0_i32_0 : i32, i32
  }
  func.func @transform_2(%arg0: i32) -> (i32, i32) {
    %c0_i32 = arith.constant 0 : i32
    %c0_i32_0 = arith.constant 0 : i32
    return %arg0, %c0_i32 : i32, i32
  }
  func.func @transform_3(%arg0: i32) -> (i32, i32) {
    %c0_i32 = arith.constant 0 : i32
    %c0_i32_0 = arith.constant 0 : i32
    return %arg0, %c0_i32 : i32, i32
  }
}

</mosaic_0001>

<sc_bundles>
// kernel: kernel.4.cloned.1.call-start
scs
__scs_entry_jumppad:
0x0: {  	(pc) =	sbr.rel $0x88, $3  }
0x1: {  	(tag) =	ssettag $0x0;
	lr =	simm.s32 $0x1  }
0x2: {  	[smem:$0x3F9C] =	sst lr;
	_ =	strace $0xD0000000  }
0x3: {  	_ = 	snop  }
0x4: {  	_ = 	snop  }
0x5: {  	_ = 	snop  }
0x6: {  	_ = 	snop  }
0x7: {  	_ = 	snop  }
__scs_overlays_trampoline_lowered:
0x8: {  	[smem:$0x3FAB] =	sst s0  }
0x9: {  	[smem:$0x3FAC] =	sst s1  }
0xa: {  	[smem:$0x3FAD] =	sst s2  }
0xb: {  	[smem:$0x3FAE] =	sst s3  }
0xc: {  	[smem:$0x3FAF] =	sst s4  }
0xd: {  	[smem:$0x3FB0] =	sst s5  }
0xe: {  	[smem:$0x3FB1] =	sst s6  }
0xf: {  	[smem:$0x3FB2] =	sst s7  }
0x10: {  	[smem:$0x3FB3] =	sst s8  }
0x11: {  	[smem:$0x3FB4] =	sst s9;
	s0 =	simm.s32 @!p0 $0x0  }
0x12: {  	s1 =	sld [smem:$0x3F9A];
	s0 =	simm.s32 @p0 $0x1  }
0x13: {  	[smem:$0x3FB5] =	sst s0;
	s0 =	simm.s32 @!p1 $0x0  }
0x14: {  	s2 =	sld [smem:$0x3F99];
	s0 =	simm.s32 @p1 $0x1  }
0x15: {  	[smem:$0x3FB6] =	sst s0;
	s0 =	simm.s32 @!p2 $0x0  }
0x16: {  	s3 =	sld [smem:$0x3FDB];
	s0 =	simm.s32 @p2 $0x1  }
0x17: {  	s4 =	simm.s32 $0x1BF5;
	[smem:$0x3FB8] =	sst s0  }
0x18: {  	s0 =	sld [smem:$0x3F9B];
	_ =	swait.ge [sflag:s4], $0x0  }
0x19: {  	s7 =	sld [smem:$0x3F9C]  }
0x1a: {  	s8 =	sadd.s32 $0xFFFFE003, lr  }
0x1b: {  	s9 =	sadd.s32 $0xFFFFFEF7, lr;
	s5 =	simm.s32 $0xFFFFFFFF;
	p2 =	slt.u32 s8, $0xFFFFF086  }
0x1c: {  	p1 =	slt.u32 s9, $0xF7A;
	s5 =	simm.s32 @!p2 $0x0  }
0x1d: {  	s5 =	simm.s32 @p1 $0x1;
	p0 =	seq.s32 s7, s2  }
0x1e: {  	s7 =	smul.u32 @!p0 $0xF7A, s2;
	p2 =	seq.s32 @!p0 s5, $0x0  }
0x1f: {  	s9 =	smul.u32 $0xF7A, s1;
	s8 =	simm.s32 @!p0 $0x1BF5;
	p2 =	por !p2, p0  }
0x20: {  	[sflag:s8] =	ssyncset.s32 @!p0 $0xFFFFF086;
	s6 =	sadd.s32 @!p0 s3, s7;
	s7 =	simm.s32 @!p0 $0x108  }
0x21: {  	s3 =	sadd.s32 s3, s9;
	s6 =	sadd.s32 @!p0 $0x88, s6;
	s7 =	simm.s32 @p2 $0x1082  }
0x22: {  	[simem:s7], [sflag:s8] =	dma.local @!p0 [hbm:s6], $0xF7A  }
0x23: {  	s9 =	sor.u32 $0xD0000000, s2;
	s6 =	simm.s32 $0x108;
	_ =	swait.ge @!p0 [sflag:s8], $0x0  }
0x24: {  	s3 =	sadd.s32 $0x88, s3;
	s6 =	simm.s32 @!p1 $0x1082;
	[sflag:s4] =	ssyncset.s32 $0xFFFFF086  }
0x25: {  	[simem:s6], [sflag:s4] =	dma.local [hbm:s3], $0xF7A  }
0x26: {  	[smem:$0x3F9C] =	sst s1;
	(tag) =	ssettag s2;
	_ =	strace s9  }
0x27: {  	s1 =	sld [smem:$0x3FAC]  }
0x28: {  	s2 =	sld [smem:$0x3FAD]  }
0x29: {  	s4 =	sld [smem:$0x3FAF]  }
0x2a: {  	p0 =	seq.s32 s5, $0x0;
	s5 =	sld [smem:$0x3FB0]  }
0x2b: {  	s6 =	sld [smem:$0x3FB1]  }
0x2c: {  	s7 =	sld [smem:$0x3FB2]  }
0x2d: {  	s3 =	simm.s32 $0x108;
	s8 =	sld [smem:$0x3FB3]  }
0x2e: {  	s3 =	simm.s32 @!p0 $0x1082;
	s9 =	sld [smem:$0x3FB4]  }
0x2f: {  	lr =	sadd.s32 s0, s3;
	s0 =	sld [smem:$0x3FAB]  }
0x30: {  	s3 =	sld [smem:$0x3FAE]  }
0x31: {  	[smem:$0x3FB7] =	sst s10  }
0x32: {  	s10 =	sld [smem:$0x3FB5];
	_ =	sdelay $0x3  }
0x33: {  	p0 =	seq.s32 s10, $0x1;
	s10 =	sld [smem:$0x3FB7];
	_ =	sdelay $0x3  }
0x34: {  	[smem:$0x3FB7] =	sst s10  }
0x35: {  	s10 =	sld [smem:$0x3FB6];
	_ =	sdelay $0x3  }
0x36: {  	p1 =	seq.s32 s10, $0x1;
	s10 =	sld [smem:$0x3FB7];
	_ =	sdelay $0x3  }
0x37: {  	[smem:$0x3FB7] =	sst s10  }
0x38: {  	s10 =	sld [smem:$0x3FB8]  }
0x39: {  	_ = 	snop;
	(pc) =	sbr.ind lr, $3  }
0x3a: {  	_ = 	snop  }
0x3b: {  	_ = 	snop  }
0x3c: {  	p2 =	seq.s32 s10, $0x1;
	s10 =	sld [smem:$0x3FB7]  }
0x3d: {  	_ =	shalt  }
0x3e: {  	_ =	shalt  }
0x3f: {  	_ =	shalt  }
0x40: {  	_ =	shalt  }
0x41: {  	_ =	shalt  }
0x42: {  	_ =	shalt  }
0x43: {  	_ =	shalt  }
0x44: {  	_ =	shalt  }
0x45: {  	_ =	shalt  }
0x46: {  	_ =	shalt  }
0x47: {  	_ =	shalt  }
0x48: {  	_ =	shalt  }
0x49: {  	_ =	shalt  }
0x4a: {  	_ =	shalt  }
0x4b: {  	_ =	shalt  }
0x4c: {  	_ =	shalt  }
0x4d: {  	_ =	shalt  }
0x4e: {  	_ =	shalt  }
0x4f: {  	_ =	shalt  }
0x50: {  	_ =	shalt  }
0x51: {  	_ =	shalt  }
0x52: {  	_ =	shalt  }
0x53: {  	_ =	shalt  }
0x54: {  	_ =	shalt  }
0x55: {  	_ =	shalt  }
0x56: {  	_ =	shalt  }
0x57: {  	_ =	shalt  }
0x58: {  	_ =	shalt  }
0x59: {  	_ =	shalt  }
0x5a: {  	_ =	shalt  }
0x5b: {  	_ =	shalt  }
0x5c: {  	_ =	shalt  }
0x5d: {  	_ =	shalt  }
0x5e: {  	_ =	shalt  }
0x5f: {  	_ =	shalt  }
0x60: {  	_ =	shalt  }
0x61: {  	_ =	shalt  }
0x62: {  	_ =	shalt  }
0x63: {  	_ =	shalt  }
0x64: {  	_ =	shalt  }
0x65: {  	_ =	shalt  }
0x66: {  	_ =	shalt  }
0x67: {  	_ =	shalt  }
0x68: {  	_ =	shalt  }
0x69: {  	_ =	shalt  }
0x6a: {  	_ =	shalt  }
0x6b: {  	_ =	shalt  }
0x6c: {  	_ =	shalt  }
0x6d: {  	_ =	shalt  }
0x6e: {  	_ =	shalt  }
0x6f: {  	_ =	shalt  }
0x70: {  	_ =	shalt  }
0x71: {  	_ =	shalt  }
0x72: {  	_ =	shalt  }
0x73: {  	_ =	shalt  }
0x74: {  	_ =	shalt  }
0x75: {  	_ =	shalt  }
0x76: {  	_ =	shalt  }
0x77: {  	_ =	shalt  }
0x78: {  	_ =	shalt  }
0x79: {  	_ =	shalt  }
0x7a: {  	_ =	shalt  }
0x7b: {  	_ =	shalt  }
0x7c: {  	_ =	shalt  }
0x7d: {  	_ =	shalt  }
0x7e: {  	_ =	shalt  }
0x7f: {  	_ =	shalt  }
0x80: {  	_ =	shalt  }
0x81: {  	_ =	shalt  }
0x82: {  	_ =	shalt  }
0x83: {  	_ =	shalt  }
0x84: {  	_ =	shalt  }
0x85: {  	_ =	shalt  }
0x86: {  	_ =	shalt  }
0x87: {  	_ =	shalt  }
.Lfunc_end0:
.L_simem_size_0:
called_computation_lowered:
.L_overlay_start_0:
0x88: {  	s2 =	sld [smem:$0x3FD9]  }
0x89: {  	s3 =	sld [smem:$0x3FFE];
	_ =	sdelay $0x1  }
0x8a: {  	s1 =	srdreg.scid  }
0x8b: {  	s0 =	sand.u32 $0x1, s1  }
0x8c: {  	s14 =	sshll.u32 s0, $0xA;
	s2 =	sadd.s32 s3, s2  }
0x8d: {  	s2 =	sadd.s32 s2, s14  }
0x8e: {  	[smem:$0x3FC3] =	sst s2  }
0x8f: {  	_ = 	snop  }
0x90: {  	s2 =	sld [smem:$0x3FD0];
	_ =	sdelay $0x2  }
0x91: {  	s4 =	simm.s32 $0xA;
	s5 =	simm.s32 $0x10;
	s15 =	sld [smem:$0x3FC9]  }
0x92: {  	[smem:s5], [sflag:s4] =	dma.local [hbm:s2], $0x1  }
0x93: {  	_ =	swait.eq [sflag:s4], $0x1  }
0x94: {  	[sflag:s4] =	ssyncset.done $0x0  }
0x95: {  	[sflag:s4] =	ssyncadd.s32 $0xFFFFFFFF  }
0x96: {  	s16 =	sld [smem:$0x11];
	(tm) =	ssettm $0x1  }
0x97: {  	s17 =	sld [smem:$0x3FFB];
	_ =	sdelay $0x3  }
0x98: {  	_ =	strace s17  }
0x99: {  	s4 =	sld [smem:$0x3FFC];
	_ =	sdelay $0x3  }
0x9a: {  	_ =	strace s4  }
0x9b: {  	s4 =	sld [smem:$0x3FFD];
	_ =	sdelay $0x3  }
0x9c: {  	_ =	strace s4  }
0x9d: {  	_ =	strace $0x8FFFFFFF  }
0x9e: {  	s18 =	sld [smem:$0x3FDB];
	_ =	sdelay $0x1  }
0x9f: {  	s19 =	simm.s32 $_scs_section_size  }
0xa0: {  	s6 =	simm.s32 $_size__tile_overlayer_lowered;
	s7 =	simm.s32 $_tile_overlayer_lowered  }
0xa1: {  	s22 =	simm.s32 $0x1BFF;
	s21 =	sshll.u32 s7, $0x1;
	s4 =	sadd.s32 s19, s18  }
0xa2: {  	s8 =	simm.s32 $0x0;
	s20 =	sshll.u32 s6, $0x1;
	s6 =	sadd.s32 s21, s4  }
0xa3: {  	[timem:s8], [sflag:s22] =	dma.local [hbm:s6], s20  }
0xa4: {  	_ =	swait.ge [sflag:s22], s20  }
0xa5: {  	s5 =	ssub.s32 $0x0, s20;
	[sflag:s22] =	ssyncset.done $0x0  }
0xa6: {  	[sflag:s22] =	ssyncadd.s32 s5;
	_ =	sdelay $0x1  }
0xa7: {  	s23 =	simm.s32 $0x1B8B  }
0xa8: {  	_ =	swait.ge [sflag:s23], $0x1  }
0xa9: {  	[sflag:s23] =	ssyncset.done $0x0  }
0xaa: {  	s25 =	simm.s32 $0x1B8E;
	s24 =	sld [smem:$0x3FFE];
	[sflag:s23] =	ssyncadd.s32 $0xFFFFFFFF  }
0xab: {  	s26 =	simm.s32 $execute0_lowered;
	[smem:$0x3FD2] =	sst s25  }
0xac: {  	s6 =	sshll.u32 s26, $0x1;
	_ =	strace $0x80000046;
	[dreg:$0x1] =	wrdreg $0xFFFFFFFF  }
0xad: {  	s28 =	simm.s32 $_size_execute0_lowered;
	s4 =	sadd.s32 s4, s6;
	[dreg:$0x0] =	wrdreg $0x0  }
0xae: {  	s6 =	sshll.u32 s28, $0x1;
	[dreg:$0x2] =	wrdreg s4  }
0xaf: {  	[dreg:$0x3] =	wrdreg s6  }
0xb0: {  	[dreg:$0x4] =	wrdreg $0xC0  }
0xb1: {  	_ =	task [dreg:s8], $0x5FFFF  }
0xb2: {  	[dreg:$0x1] =	wrdreg $0xFFFFFFFF  }
0xb3: {  	[dreg:$0x0] =	wrdreg $0x60  }
0xb4: {  	[dreg:$0x2] =	wrdreg s15  }
0xb5: {  	[dreg:$0x3] =	wrdreg s16  }
0xb6: {  	[dreg:$0x4] =	wrdreg s24  }
0xb7: {  	[dreg:$0x5] =	wrdreg $0xA9000  }
0xb8: {  	[dreg:$0x6] =	wrdreg $0x9  }
0xb9: {  	_ =	task.clear_ibuf [dreg:s8], $0x7FFFF;
	_ =	strace $0x90000046  }
0xba: {  	s29 =	simm.s32 $0x9;
	_ =	strace $0x80000048  }
0xbb: {  	_ =	swait.ge [sflag:s29], $0x1  }
0xbc: {  	[sflag:s29] =	ssyncadd.s32 $0xFFFFFFFF  }
0xbd: {  	_ =	strace $0x90000048  }
0xbe: {  	_ =	sfence  }
0xbf: {  	s30 =	sld [smem:$0x0];
	_ =	sdelay $0x2  }
0xc0: {  	s31 =	sshll.u32 s1, $0xD;
	s1 =	sshrl.u32 s1, $0x2  }
0xc1: {  	s3 =	sand.u32 $0x4000, s31;
	s1 =	sadd.s32 s1, s30  }
0xc2: {  	s0 =	sor.u32 s3, s0;
	s1 =	sshll.u32 s1, $0x11  }
0xc3: {  	s0 =	sor.u32 s1, s0  }
0xc4: {  	s0 =	sadd.s32 $0x8F2B, s0  }
0xc5: {  	[sflag:s0] =	ssyncadd.remote.s32 $0x1  }
0xc6: {  	_ =	sfence.sel $0xFFFF  }
0xc7: {  	[dreg:$0x0] =	wrdreg $0xFFFFFFFF;
	(pc) =	sbr.abs _section_cstart, $3  }
0xc8: {  	[dreg:$0x1] =	wrdreg $0xFFFFFFFF  }
0xc9: {  	_ =	task.clear_ibuf [dreg:s8], $0x2FFFF;
	_ =	strace $0x9FFFFFFF  }
0xca: {  	(tm) =	ssettm $0x7FFFFFFF  }
0xcb: {  	_ =	shalt  }
tec
execute0_lowered:
.L_overlay_start_1:
0x0: {  	(tag) =	ssettag $0x1  }
0x1: {  	s1 =	rddreg [dreg:$0x0]  }
0x2: {  	s0 =	rddreg [dreg:$0x1]  }
0x3: {  	s3 =	rddreg [dreg:$0x2]  }
0x4: {  	s2 =	rddreg [dreg:$0x3];
	s4 =	srdreg.scid  }
0x5: {  	s9 =	stileid.u32;
	s14 =	simm.s32 $0x6900;
	s15 =	simm.s32 $0x9  }
0x6: {  	s16 =	simm.s32 $0x20;
	s17 =	simm.s32 $0x2900;
	s18 =	simm.s32 $0x3900  }
0x7: {  	s28 =	simm.s32 $0x2;
	s29 =	simm.s32 $0x3;
	s7 =	smul.u32 $0x13C00, s9  }
0x8: {  	s30 =	simm.s32 $0x4;
	s5 =	sand.u32 $0x1, s4;
	s20 =	smul.u32 $0x4F000, s9  }
0x9: {  	s31 =	simm.s32 $0x80;
	s4 =	simm.s32 $0x0;
	s6 =	smul.u32 $0x13C000, s5  }
0xa: {  	[smem:$0x7FF] =	sst s4;
	s8 =	sshll.u32 s5, $0x4;
	s5 =	ssub.s32 $0x2, s5  }
0xb: {  	_ =	strace $0x80000047;
	s19 =	sor.u32 s9, s8;
	s6 =	sadd.s32 s7, s6  }
0xc: {  	s21 =	sshrl.u32 s5, $0x1;
	s8 =	sshrl.u32 s20, $0x2;
	s6 =	sshrl.u32 s6, $0x3  }
0xd: {  	s3 =	sadd.s32 s6, s3;
	s6 =	ssub.s32 s5, s21;
	s5 =	sadd.s32 s8, s2  }
0xe: {  	s20 =	simm.s32 $0x4900;
	s7 =	smul.u32 $0x5200, s19;
	s8 =	sadd.s32 $0x4000, s5  }
0xf: {  	s9 =	simm.s32 $0x2880;
	s22 =	sadd.s32 $0x8000, s5;
	[dreg:$0x5] =	wrdreg s8  }
0x10: {  	s7 =	sshrl.u32 s7, $0x3;
	s23 =	sadd.s32 $0xC000, s5;
	[dreg:$0x6] =	wrdreg s22  }
0x11: {  	s24 =	sadd.s32 $0x10000, s5;
	s26 =	sadd.s32 $0x600, s3;
	[dreg:$0x7] =	wrdreg s23  }
0x12: {  	s13 =	smax.u32 s6, $0x1;
	s3 =	simm.s32 $0x6;
	[dreg:$0x8] =	wrdreg s24  }
0x13: {  	s6 =	simm.s32 $0x7;
	s8 =	sadd.s32 s0, s7;
	[dreg:$0xa] =	wrdreg s26  }
0x14: {  	s22 =	simm.s32 $0x5900;
	s23 =	simm.s32 $0x7900;
	s24 =	simm.s32 $0x8900  }
0x15: {  	s26 =	simm.s32 $0x1;
	s0 =	simm.s32 $0x5;
	s25 =	sadd.s32 $0x520, s8  }
0x16: {  	v0 =	vimm.f32 $0.0e+00;
	s7 =	simm.s32 $0x8;
	[dreg:$0x9] =	wrdreg s25;
	s25 =	simm.s32 $0x9900  }
.LBB2_1:
0x17: {  	s10 =	simm.s32 $0x0;
	s11 =	simm.s32 $0x200  }
.LBB2_2:
0x18: {  	p0 =	sne.s32 s11, $0xFE00;
	[tilespmem:s10+$0x6970] =	vst v0  }
0x19: {  	[tilespmem:s10+$0x6900] =	vst v0  }
0x1a: {  	[tilespmem:s10+$0x6910] =	vst v0  }
.Ltmp0:
0x1b: {  	[tilespmem:s10+$0x6920] =	vst v0;
	(pc) =	sbr.rel @p0 .LBB2_2-.Ltmp0, $4  }
0x1c: {  	[tilespmem:s10+$0x6930] =	vst v0  }
0x1d: {  	[tilespmem:s10+$0x6940] =	vst v0  }
0x1e: {  	[tilespmem:s10+$0x6950] =	vst v0  }
0x1f: {  	[tilespmem:s10+$0x6960] =	vst v0;
	s10 =	sshra.s32 s11, $0x2;
	s11 =	sadd.s32 $0x200, s11  }
0x20: {  	[tilespmem:s10+$0x6970] =	vst v0  }
0x21: {  	[tilespmem:s10+$0x6900] =	vst v0  }
0x22: {  	[tilespmem:s10+$0x6910] =	vst v0  }
0x23: {  	[tilespmem:s10+$0x6920] =	vst v0  }
0x24: {  	[tilespmem:s10+$0x6930] =	vst v0  }
0x25: {  	[tilespmem:s10+$0x6940] =	vst v0  }
0x26: {  	[tilespmem:s10+$0x6950] =	vst v0  }
0x27: {  	[tilespmem:s10+$0x6960] =	vst v0  }
0x28: {  	[spmem:s5] =	stream.linear.scatter [tilespmem:s14], [sflag:$0x9], $0x4000, $0x38;
	[tilespmem:$0x1E500] =	vst v63  }
0x29: {  	_ =	swait.ge [sflag:s15], $0x4000  }
0x2a: {  	[sflag:s15] =	ssyncset.done $0x0  }
0x2b: {  	s21 =	rddreg [dreg:$0x5];
	[sflag:s15] =	ssyncadd.s32 $0xFFFFC000  }
0x2c: {  	[spmem:s21] =	stream.linear.scatter [tilespmem:s14], [sflag:$0x9], $0x4000, $0x38;
	[tilespmem:$0x1E500] =	vst v63  }
0x2d: {  	_ =	swait.ge [sflag:s15], $0x4000  }
0x2e: {  	[sflag:s15] =	ssyncset.done $0x0  }
0x2f: {  	s11 =	rddreg [dreg:$0x6];
	[sflag:s15] =	ssyncadd.s32 $0xFFFFC000  }
0x30: {  	[spmem:s11] =	stream.linear.scatter [tilespmem:s14], [sflag:$0x9], $0x4000, $0x38;
	[tilespmem:$0x1E500] =	vst v63  }
0x31: {  	_ =	swait.ge [sflag:s15], $0x4000  }
0x32: {  	[sflag:s15] =	ssyncset.done $0x0  }
0x33: {  	s12 =	rddreg [dreg:$0x7];
	[sflag:s15] =	ssyncadd.s32 $0xFFFFC000  }
0x34: {  	[spmem:s12] =	stream.linear.scatter [tilespmem:s14], [sflag:$0x9], $0x4000, $0x38;
	[tilespmem:$0x1E500] =	vst v63  }
0x35: {  	_ =	swait.ge [sflag:s15], $0x4000  }
0x36: {  	[sflag:s15] =	ssyncset.done $0x0  }
0x37: {  	s19 =	rddreg [dreg:$0x8];
	[sflag:s15] =	ssyncadd.s32 $0xFFFFC000  }
0x38: {  	[spmem:s19] =	stream.linear.scatter [tilespmem:s14], [sflag:$0x9], $0x3C00, $0x38;
	[tilespmem:$0x1E500] =	vst v63  }
0x39: {  	_ =	swait.ge [sflag:s15], $0x3C00  }
0x3a: {  	[sflag:s15] =	ssyncset.done $0x0  }
0x3b: {  	s21 =	simm.s32 $0x0;
	[sflag:s15] =	ssyncadd.s32 $0xFFFFC400  }
0x3c: {  	[tilespmem:s21], [sflag:$0x9] =	stream.linear.gather [hbm4b:s8+s21], $0x2900, $0x38;
	[tilespmem:$0x1E500] =	vst v63  }
0x3d: {  	_ =	swait.ge [sflag:s15], $0x2900  }
0x3e: {  	[sflag:s15] =	ssyncset.done $0x0  }
0x3f: {  	[sflag:s15] =	ssyncadd.s32 $0xFFFFD700  }
0x40: {  	[tilespmem:s17], [sflag:$0x1] =	stream.indirect.gather [hbm4b:s1+s16], $0x80, s21, s16, $0xb8;
	[tilespmem:$0x1E500] =	vst v63  }
0x41: {  	_ = 	snop  }
0x42: {  	[tilespmem:s18], [sflag:$0x2] =	stream.indirect.gather [hbm4b:s1+s16], $0x80, s16, s16, $0xb8;
	[tilespmem:$0x1E500] =	vst v63  }
0x43: {  	s11 =	simm.s32 $0x40  }
0x44: {  	[tilespmem:s20], [sflag:$0x3] =	stream.indirect.gather [hbm4b:s1+s16], $0x80, s11, s16, $0xb8;
	[tilespmem:$0x1E500] =	vst v63  }
0x45: {  	s12 =	simm.s32 $0x60  }
0x46: {  	[tilespmem:s22], [sflag:$0x4] =	stream.indirect.gather [hbm4b:s1+s16], $0x80, s12, s16, $0xb8;
	[tilespmem:$0x1E500] =	vst v63  }
0x47: {  	s19 =	simm.s32 $0x100;
	[bflag:$0x0] =	sbarrier.arrive $0xFFFF  }
0x48: {  	[tilespmem:s14], [sflag:$0x5] =	stream.indirect.gather [hbm4b:s1+s16], $0x80, s19, s16, $0xb8;
	[tilespmem:$0x1E500] =	vst v63  }
0x49: {  	s21 =	simm.s32 $0x120  }
0x4a: {  	[tilespmem:s23], [sflag:$0x6] =	stream.indirect.gather [hbm4b:s1+s16], $0x80, s21, s16, $0xb8;
	[tilespmem:$0x1E500] =	vst v63  }
0x4b: {  	s11 =	simm.s32 $0x140  }
0x4c: {  	[tilespmem:s24], [sflag:$0x7] =	stream.indirect.gather [hbm4b:s1+s16], $0x80, s11, s16, $0xb8;
	[tilespmem:$0x1E500] =	vst v63  }
0x4d: {  	s12 =	simm.s32 $0x160  }
0x4e: {  	[tilespmem:s25], [sflag:$0x8] =	stream.indirect.gather [hbm4b:s1+s16], $0x80, s12, s16, $0xb8;
	[tilespmem:$0x1E500] =	vst v63  }
0x4f: {  	_ =	swait.ge [sflag:s26], $0x1000  }
0x50: {  	[sflag:s26] =	ssyncset.done $0x0  }
0x51: {  	[sflag:s26] =	ssyncadd.s32 $0xFFFFF000  }
0x52: {  	_ =	swait.ge [sflag:s28], $0x1000  }
0x53: {  	[sflag:s28] =	ssyncset.done $0x0  }
0x54: {  	[sflag:s28] =	ssyncadd.s32 $0xFFFFF000  }
0x55: {  	_ =	swait.ge [sflag:s29], $0x1000  }
0x56: {  	[sflag:s29] =	ssyncset.done $0x0  }
0x57: {  	[sflag:s29] =	ssyncadd.s32 $0xFFFFF000  }
0x58: {  	_ =	swait.ge [sflag:s30], $0x1000  }
0x59: {  	[sflag:s30] =	ssyncset.done $0x0  }
0x5a: {  	s19 =	simm.s32 $0x80;
	[sflag:s30] =	ssyncadd.s32 $0xFFFFF000  }
0x5b: {  	[spmem:s2] =	stream.indirect.scatter.add.f32 [tilespmem:s17], [sflag:$0x9], $0x80, s19, s31, $0xb8;
	[tilespmem:$0x1E500] =	vst v63  }
0x5c: {  	_ =	swait.ge [sflag:s15], $0x4000  }
0x5d: {  	[sflag:s15] =	ssyncset.done $0x0  }
0x5e: {  	s21 =	simm.s32 $0x200;
	[sflag:s15] =	ssyncadd.s32 $0xFFFFC000  }
0x5f: {  	[tilespmem:s17], [sflag:$0x1] =	stream.indirect.gather [hbm4b:s1+s16], $0x80, s21, s16, $0xb8;
	[tilespmem:$0x1E500] =	vst v63  }
0x60: {  	s11 =	simm.s32 $0x220  }
0x61: {  	[tilespmem:s18], [sflag:$0x2] =	stream.indirect.gather [hbm4b:s1+s16], $0x80, s11, s16, $0xb8;
	[tilespmem:$0x1E500] =	vst v63  }
0x62: {  	s12 =	simm.s32 $0x240  }
0x63: {  	[tilespmem:s20], [sflag:$0x3] =	stream.indirect.gather [hbm4b:s1+s16], $0x80, s12, s16, $0xb8;
	[tilespmem:$0x1E500] =	vst v63  }
0x64: {  	s19 =	simm.s32 $0x260  }
0x65: {  	[tilespmem:s22], [sflag:$0x4] =	stream.indirect.gather [hbm4b:s1+s16], $0x80, s19, s16, $0xb8;
	[tilespmem:$0x1E500] =	vst v63  }
0x66: {  	_ =	swait.ge [sflag:s0], $0x1000  }
0x67: {  	[sflag:s0] =	ssyncset.done $0x0  }
0x68: {  	[sflag:s0] =	ssyncadd.s32 $0xFFFFF000  }
0x69: {  	_ =	swait.ge [sflag:s3], $0x1000  }
0x6a: {  	[sflag:s3] =	ssyncset.done $0x0  }
0x6b: {  	[sflag:s3] =	ssyncadd.s32 $0xFFFFF000  }
0x6c: {  	_ =	swait.ge [sflag:s6], $0x1000  }
0x6d: {  	[sflag:s6] =	ssyncset.done $0x0  }
0x6e: {  	[sflag:s6] =	ssyncadd.s32 $0xFFFFF000  }
0x6f: {  	_ =	swait.ge [sflag:s7], $0x1000  }
0x70: {  	[sflag:s7] =	ssyncset.done $0x0  }
0x71: {  	s21 =	simm.s32 $0x180;
	[sflag:s7] =	ssyncadd.s32 $0xFFFFF000  }
0x72: {  	[spmem:s2] =	stream.indirect.scatter.add.f32 [tilespmem:s14], [sflag:$0x9], $0x80, s21, s31, $0xb8;
	[tilespmem:$0x1E500] =	vst v63  }
0x73: {  	_ =	swait.ge [sflag:s15], $0x4000  }
0x74: {  	s10 =	simm.s32 $0x200;
	s19 =	simm.s32 $0x1000;
	[sflag:s15] =	ssyncset.done $0x0  }
.LBB2_4:
0x75: {  	s21 =	sadd.s32 $0x100, s10  }
0x76: {  	[sflag:s15] =	ssyncadd.s32 $0xFFFFC000;
	s11 =	smov.u32 s19;
	s12 =	sadd.s32 $0x800, s19  }
0x77: {  	[tilespmem:s14], [sflag:$0x5] =	stream.indirect.gather [hbm4b:s1+s16], $0x80, s21, s16, $0xb8;
	[tilespmem:$0x1E500] =	vst v63  }
0x78: {  	p0 =	sne.s32 s19, $0x9800;
	s19 =	sadd.s32 $0x120, s10  }
0x79: {  	[tilespmem:s23], [sflag:$0x6] =	stream.indirect.gather [hbm4b:s1+s16], $0x80, s19, s16, $0xb8;
	[tilespmem:$0x1E500] =	vst v63  }
0x7a: {  	s19 =	sadd.s32 $0x140, s10  }
0x7b: {  	[tilespmem:s24], [sflag:$0x7] =	stream.indirect.gather [hbm4b:s1+s16], $0x80, s19, s16, $0xb8;
	[tilespmem:$0x1E500] =	vst v63  }
0x7c: {  	s19 =	sadd.s32 $0x160, s10  }
0x7d: {  	[tilespmem:s25], [sflag:$0x8] =	stream.indirect.gather [hbm4b:s1+s16], $0x80, s19, s16, $0xb8;
	[tilespmem:$0x1E500] =	vst v63  }
0x7e: {  	_ =	swait.ge [sflag:s26], $0x1000  }
0x7f: {  	[sflag:s26] =	ssyncset.done $0x0  }
0x80: {  	[sflag:s26] =	ssyncadd.s32 $0xFFFFF000  }
0x81: {  	_ =	swait.ge [sflag:s28], $0x1000  }
0x82: {  	[sflag:s28] =	ssyncset.done $0x0  }
0x83: {  	[sflag:s28] =	ssyncadd.s32 $0xFFFFF000  }
0x84: {  	_ =	swait.ge [sflag:s29], $0x1000  }
0x85: {  	[sflag:s29] =	ssyncset.done $0x0  }
0x86: {  	[sflag:s29] =	ssyncadd.s32 $0xFFFFF000  }
0x87: {  	_ =	swait.ge [sflag:s30], $0x1000  }
0x88: {  	[sflag:s30] =	ssyncset.done $0x0  }
0x89: {  	s19 =	sadd.s32 $0x80, s10;
	[sflag:s30] =	ssyncadd.s32 $0xFFFFF000  }
0x8a: {  	[spmem:s2] =	stream.indirect.scatter.add.f32 [tilespmem:s17], [sflag:$0x9], $0x80, s19, s31, $0xb8;
	[tilespmem:$0x1E500] =	vst v63  }
0x8b: {  	_ =	swait.ge [sflag:s15], $0x4000  }
0x8c: {  	[sflag:s15] =	ssyncset.done $0x0  }
0x8d: {  	s19 =	sadd.s32 $0x200, s10;
	[sflag:s15] =	ssyncadd.s32 $0xFFFFC000  }
0x8e: {  	[tilespmem:s17], [sflag:$0x1] =	stream.indirect.gather [hbm4b:s1+s16], $0x80, s19, s16, $0xb8;
	[tilespmem:$0x1E500] =	vst v63  }
0x8f: {  	s19 =	sadd.s32 $0x220, s10  }
0x90: {  	[tilespmem:s18], [sflag:$0x2] =	stream.indirect.gather [hbm4b:s1+s16], $0x80, s19, s16, $0xb8;
	[tilespmem:$0x1E500] =	vst v63  }
0x91: {  	s19 =	sadd.s32 $0x240, s10  }
0x92: {  	[tilespmem:s20], [sflag:$0x3] =	stream.indirect.gather [hbm4b:s1+s16], $0x80, s19, s16, $0xb8;
	[tilespmem:$0x1E500] =	vst v63  }
0x93: {  	s19 =	sadd.s32 $0x260, s10  }
0x94: {  	[tilespmem:s22], [sflag:$0x4] =	stream.indirect.gather [hbm4b:s1+s16], $0x80, s19, s16, $0xb8;
	[tilespmem:$0x1E500] =	vst v63  }
0x95: {  	_ =	swait.ge [sflag:s0], $0x1000  }
0x96: {  	[sflag:s0] =	ssyncset.done $0x0  }
0x97: {  	[sflag:s0] =	ssyncadd.s32 $0xFFFFF000  }
0x98: {  	_ =	swait.ge [sflag:s3], $0x1000  }
0x99: {  	[sflag:s3] =	ssyncset.done $0x0  }
0x9a: {  	[sflag:s3] =	ssyncadd.s32 $0xFFFFF000  }
0x9b: {  	_ =	swait.ge [sflag:s6], $0x1000  }
0x9c: {  	[sflag:s6] =	ssyncset.done $0x0  }
0x9d: {  	[sflag:s6] =	ssyncadd.s32 $0xFFFFF000  }
0x9e: {  	_ =	swait.ge [sflag:s7], $0x1000  }
.Ltmp1:
0x9f: {  	[sflag:s7] =	ssyncset.done $0x0;
	(pc) =	sbr.rel @p0 .LBB2_4-.Ltmp1, $4  }
0xa0: {  	s10 =	sadd.s32 $0x180, s10;
	[sflag:s7] =	ssyncadd.s32 $0xFFFFF000  }
0xa1: {  	[spmem:s2] =	stream.indirect.scatter.add.f32 [tilespmem:s14], [sflag:$0x9], $0x80, s10, s31, $0xb8;
	[tilespmem:$0x1E500] =	vst v63  }
0xa2: {  	_ =	swait.ge [sflag:s15], $0x4000  }
0xa3: {  	s19 =	smov.u32 s12;
	s10 =	sshra.s32 s11, $0x2;
	[sflag:s15] =	ssyncset.done $0x0  }
0xa4: {  	s11 =	sadd.s32 $0x100, s10;
	[sflag:s15] =	ssyncadd.s32 $0xFFFFC000  }
0xa5: {  	[tilespmem:s14], [sflag:$0x5] =	stream.indirect.gather [hbm4b:s1+s16], $0x80, s11, s16, $0xb8;
	[tilespmem:$0x1E500] =	vst v63  }
0xa6: {  	s19 =	sadd.s32 $0x120, s10  }
0xa7: {  	[tilespmem:s23], [sflag:$0x6] =	stream.indirect.gather [hbm4b:s1+s16], $0x80, s19, s16, $0xb8;
	[tilespmem:$0x1E500] =	vst v63  }
0xa8: {  	s21 =	sadd.s32 $0x140, s10  }
0xa9: {  	[tilespmem:s24], [sflag:$0x7] =	stream.indirect.gather [hbm4b:s1+s16], $0x80, s21, s16, $0xb8;
	[tilespmem:$0x1E500] =	vst v63  }
0xaa: {  	s12 =	sadd.s32 $0x160, s10  }
0xab: {  	[tilespmem:s25], [sflag:$0x8] =	stream.indirect.gather [hbm4b:s1+s16], $0x80, s12, s16, $0xb8;
	[tilespmem:$0x1E500] =	vst v63  }
0xac: {  	_ =	swait.ge [sflag:s26], $0x1000  }
0xad: {  	[sflag:s26] =	ssyncset.done $0x0  }
0xae: {  	[sflag:s26] =	ssyncadd.s32 $0xFFFFF000  }
0xaf: {  	_ =	swait.ge [sflag:s28], $0x1000  }
0xb0: {  	[sflag:s28] =	ssyncset.done $0x0  }
0xb1: {  	[sflag:s28] =	ssyncadd.s32 $0xFFFFF000  }
0xb2: {  	_ =	swait.ge [sflag:s29], $0x1000  }
0xb3: {  	[sflag:s29] =	ssyncset.done $0x0  }
0xb4: {  	[sflag:s29] =	ssyncadd.s32 $0xFFFFF000  }
0xb5: {  	_ =	swait.ge [sflag:s30], $0x1000  }
0xb6: {  	[sflag:s30] =	ssyncset.done $0x0  }
0xb7: {  	s19 =	sadd.s32 $0x80, s10;
	[sflag:s30] =	ssyncadd.s32 $0xFFFFF000  }
0xb8: {  	[spmem:s2] =	stream.indirect.scatter.add.f32 [tilespmem:s17], [sflag:$0x9], $0x80, s19, s31, $0xb8;
	[tilespmem:$0x1E500] =	vst v63  }
0xb9: {  	_ =	swait.ge [sflag:s15], $0x4000  }
0xba: {  	[sflag:s15] =	ssyncset.done $0x0  }
0xbb: {  	s21 =	sadd.s32 $0x200, s10;
	[sflag:s15] =	ssyncadd.s32 $0xFFFFC000  }
0xbc: {  	[tilespmem:s17], [sflag:$0x1] =	stream.indirect.gather [hbm4b:s1+s16], $0x80, s21, s16, $0xb8;
	[tilespmem:$0x1E500] =	vst v63  }
0xbd: {  	s12 =	sadd.s32 $0x220, s10  }
0xbe: {  	[tilespmem:s18], [sflag:$0x2] =	stream.indirect.gather [hbm4b:s1+s16], $0x80, s12, s16, $0xb8;
	[tilespmem:$0x1E500] =	vst v63  }
0xbf: {  	s19 =	sadd.s32 $0x240, s10  }
0xc0: {  	[tilespmem:s20], [sflag:$0x3] =	stream.indirect.gather [hbm4b:s1+s16], $0x80, s19, s16, $0xb8;
	[tilespmem:$0x1E500] =	vst v63  }
0xc1: {  	s21 =	sadd.s32 $0x260, s10  }
0xc2: {  	[tilespmem:s22], [sflag:$0x4] =	stream.indirect.gather [hbm4b:s1+s16], $0x80, s21, s16, $0xb8;
	[tilespmem:$0x1E500] =	vst v63  }
0xc3: {  	_ =	swait.ge [sflag:s0], $0x1000  }
0xc4: {  	[sflag:s0] =	ssyncset.done $0x0  }
0xc5: {  	[sflag:s0] =	ssyncadd.s32 $0xFFFFF000  }
0xc6: {  	_ =	swait.ge [sflag:s3], $0x1000  }
0xc7: {  	[sflag:s3] =	ssyncset.done $0x0  }
0xc8: {  	[sflag:s3] =	ssyncadd.s32 $0xFFFFF000  }
0xc9: {  	_ =	swait.ge [sflag:s6], $0x1000  }
0xca: {  	[sflag:s6] =	ssyncset.done $0x0  }
0xcb: {  	[sflag:s6] =	ssyncadd.s32 $0xFFFFF000  }
0xcc: {  	_ =	swait.ge [sflag:s7], $0x1000  }
0xcd: {  	[sflag:s7] =	ssyncset.done $0x0  }
0xce: {  	s12 =	sadd.s32 $0x180, s10;
	[sflag:s7] =	ssyncadd.s32 $0xFFFFF000  }
0xcf: {  	[spmem:s2] =	stream.indirect.scatter.add.f32 [tilespmem:s14], [sflag:$0x9], $0x80, s12, s31, $0xb8;
	[tilespmem:$0x1E500] =	vst v63  }
0xd0: {  	_ =	swait.ge [sflag:s15], $0x4000  }
0xd1: {  	[sflag:s15] =	ssyncset.done $0x0  }
0xd2: {  	[sflag:s15] =	ssyncadd.s32 $0xFFFFC000  }
0xd3: {  	_ =	swait.ge [sflag:s26], $0x1000  }
0xd4: {  	[sflag:s26] =	ssyncset.done $0x0  }
0xd5: {  	[sflag:s26] =	ssyncadd.s32 $0xFFFFF000  }
0xd6: {  	_ =	swait.ge [sflag:s28], $0x1000  }
0xd7: {  	[sflag:s28] =	ssyncset.done $0x0  }
0xd8: {  	[sflag:s28] =	ssyncadd.s32 $0xFFFFF000  }
0xd9: {  	_ =	swait.ge [sflag:s29], $0x1000  }
0xda: {  	[sflag:s29] =	ssyncset.done $0x0  }
0xdb: {  	[sflag:s29] =	ssyncadd.s32 $0xFFFFF000  }
0xdc: {  	_ =	swait.ge [sflag:s30], $0x1000  }
0xdd: {  	[sflag:s30] =	ssyncset.done $0x0  }
0xde: {  	[sflag:s30] =	ssyncadd.s32 $0xFFFFF000  }
0xdf: {  	[spmem:s2] =	stream.indirect.scatter.add.f32 [tilespmem:s17], [sflag:$0x9], $0x80, s9, s31, $0xb8;
	[tilespmem:$0x1E500] =	vst v63  }
0xe0: {  	_ =	swait.ge [sflag:s15], $0x4000  }
0xe1: {  	[sflag:s15] =	ssyncset.done $0x0  }
0xe2: {  	s19 =	simm.s32 $0x0;
	s21 =	rddreg [dreg:$0x9];
	[sflag:s15] =	ssyncadd.s32 $0xFFFFC000  }
0xe3: {  	[tilespmem:s19], [sflag:$0x9] =	stream.linear.gather [hbm4b:s21+s19], $0x2900, $0x38;
	[tilespmem:$0x1E500] =	vst v63  }
0xe4: {  	_ =	swait.ge [sflag:s15], $0x2900  }
0xe5: {  	[sflag:s15] =	ssyncset.done $0x0  }
0xe6: {  	[sflag:s15] =	ssyncadd.s32 $0xFFFFD700  }
0xe7: {  	[tilespmem:s17], [sflag:$0x1] =	stream.indirect.gather [hbm4b:s1+s16], $0x80, s19, s16, $0xb8;
	[tilespmem:$0x1E500] =	vst v63  }
0xe8: {  	_ = 	snop  }
0xe9: {  	[tilespmem:s18], [sflag:$0x2] =	stream.indirect.gather [hbm4b:s1+s16], $0x80, s16, s16, $0xb8;
	[tilespmem:$0x1E500] =	vst v63  }
0xea: {  	s11 =	simm.s32 $0x40  }
0xeb: {  	[tilespmem:s20], [sflag:$0x3] =	stream.indirect.gather [hbm4b:s1+s16], $0x80, s11, s16, $0xb8;
	[tilespmem:$0x1E500] =	vst v63  }
0xec: {  	s12 =	simm.s32 $0x60  }
0xed: {  	[tilespmem:s22], [sflag:$0x4] =	stream.indirect.gather [hbm4b:s1+s16], $0x80, s12, s16, $0xb8;
	[tilespmem:$0x1E500] =	vst v63  }
0xee: {  	s19 =	simm.s32 $0x100  }
0xef: {  	[tilespmem:s14], [sflag:$0x5] =	stream.indirect.gather [hbm4b:s1+s16], $0x80, s19, s16, $0xb8;
	[tilespmem:$0x1E500] =	vst v63  }
0xf0: {  	s21 =	simm.s32 $0x120  }
0xf1: {  	[tilespmem:s23], [sflag:$0x6] =	stream.indirect.gather [hbm4b:s1+s16], $0x80, s21, s16, $0xb8;
	[tilespmem:$0x1E500] =	vst v63  }
0xf2: {  	s11 =	simm.s32 $0x140  }
0xf3: {  	[tilespmem:s24], [sflag:$0x7] =	stream.indirect.gather [hbm4b:s1+s16], $0x80, s11, s16, $0xb8;
	[tilespmem:$0x1E500] =	vst v63  }
0xf4: {  	s12 =	simm.s32 $0x160  }
0xf5: {  	[tilespmem:s25], [sflag:$0x8] =	stream.indirect.gather [hbm4b:s1+s16], $0x80, s12, s16, $0xb8;
	[tilespmem:$0x1E500] =	vst v63  }
0xf6: {  	_ =	swait.ge [sflag:s26], $0x1000  }
0xf7: {  	[sflag:s26] =	ssyncset.done $0x0  }
0xf8: {  	[sflag:s26] =	ssyncadd.s32 $0xFFFFF000  }
0xf9: {  	_ =	swait.ge [sflag:s28], $0x1000  }
0xfa: {  	[sflag:s28] =	ssyncset.done $0x0  }
0xfb: {  	[sflag:s28] =	ssyncadd.s32 $0xFFFFF000  }
0xfc: {  	_ =	swait.ge [sflag:s29], $0x1000  }
0xfd: {  	[sflag:s29] =	ssyncset.done $0x0  }
0xfe: {  	[sflag:s29] =	ssyncadd.s32 $0xFFFFF000  }
0xff: {  	_ =	swait.ge [sflag:s30], $0x1000  }
0x100: {  	[sflag:s30] =	ssyncset.done $0x0  }
0x101: {  	s19 =	simm.s32 $0x80;
	[sflag:s30] =	ssyncadd.s32 $0xFFFFF000  }
0x102: {  	[spmem:s2] =	stream.indirect.scatter.add.f32 [tilespmem:s17], [sflag:$0x9], $0x80, s19, s31, $0xb8;
	[tilespmem:$0x1E500] =	vst v63  }
0x103: {  	_ =	swait.ge [sflag:s15], $0x4000  }
0x104: {  	[sflag:s15] =	ssyncset.done $0x0  }
0x105: {  	s21 =	simm.s32 $0x200;
	[sflag:s15] =	ssyncadd.s32 $0xFFFFC000  }
0x106: {  	[tilespmem:s17], [sflag:$0x1] =	stream.indirect.gather [hbm4b:s1+s16], $0x80, s21, s16, $0xb8;
	[tilespmem:$0x1E500] =	vst v63  }
0x107: {  	s11 =	simm.s32 $0x220  }
0x108: {  	[tilespmem:s18], [sflag:$0x2] =	stream.indirect.gather [hbm4b:s1+s16], $0x80, s11, s16, $0xb8;
	[tilespmem:$0x1E500] =	vst v63  }
0x109: {  	s12 =	simm.s32 $0x240  }
0x10a: {  	[tilespmem:s20], [sflag:$0x3] =	stream.indirect.gather [hbm4b:s1+s16], $0x80, s12, s16, $0xb8;
	[tilespmem:$0x1E500] =	vst v63  }
0x10b: {  	s19 =	simm.s32 $0x260  }
0x10c: {  	[tilespmem:s22], [sflag:$0x4] =	stream.indirect.gather [hbm4b:s1+s16], $0x80, s19, s16, $0xb8;
	[tilespmem:$0x1E500] =	vst v63  }
0x10d: {  	_ =	swait.ge [sflag:s0], $0x1000  }
0x10e: {  	[sflag:s0] =	ssyncset.done $0x0  }
0x10f: {  	[sflag:s0] =	ssyncadd.s32 $0xFFFFF000  }
0x110: {  	_ =	swait.ge [sflag:s3], $0x1000  }
0x111: {  	[sflag:s3] =	ssyncset.done $0x0  }
0x112: {  	[sflag:s3] =	ssyncadd.s32 $0xFFFFF000  }
0x113: {  	_ =	swait.ge [sflag:s6], $0x1000  }
0x114: {  	[sflag:s6] =	ssyncset.done $0x0  }
0x115: {  	[sflag:s6] =	ssyncadd.s32 $0xFFFFF000  }
0x116: {  	_ =	swait.ge [sflag:s7], $0x1000  }
0x117: {  	[sflag:s7] =	ssyncset.done $0x0  }
0x118: {  	s21 =	simm.s32 $0x180;
	[sflag:s7] =	ssyncadd.s32 $0xFFFFF000  }
0x119: {  	[spmem:s2] =	stream.indirect.scatter.add.f32 [tilespmem:s14], [sflag:$0x9], $0x80, s21, s31, $0xb8;
	[tilespmem:$0x1E500] =	vst v63  }
0x11a: {  	_ =	swait.ge [sflag:s15], $0x4000  }
0x11b: {  	s10 =	simm.s32 $0x200;
	s12 =	simm.s32 $0x1000;
	[sflag:s15] =	ssyncset.done $0x0  }
.LBB2_6:
0x11c: {  	s21 =	sadd.s32 $0x100, s10  }
0x11d: {  	[sflag:s15] =	ssyncadd.s32 $0xFFFFC000;
	s11 =	smov.u32 s12;
	s19 =	sadd.s32 $0x800, s12  }
0x11e: {  	[tilespmem:s14], [sflag:$0x5] =	stream.indirect.gather [hbm4b:s1+s16], $0x80, s21, s16, $0xb8;
	[tilespmem:$0x1E500] =	vst v63  }
0x11f: {  	p0 =	sne.s32 s12, $0x9800;
	s12 =	sadd.s32 $0x120, s10  }
0x120: {  	[tilespmem:s23], [sflag:$0x6] =	stream.indirect.gather [hbm4b:s1+s16], $0x80, s12, s16, $0xb8;
	[tilespmem:$0x1E500] =	vst v63  }
0x121: {  	s12 =	sadd.s32 $0x140, s10  }
0x122: {  	[tilespmem:s24], [sflag:$0x7] =	stream.indirect.gather [hbm4b:s1+s16], $0x80, s12, s16, $0xb8;
	[tilespmem:$0x1E500] =	vst v63  }
0x123: {  	s12 =	sadd.s32 $0x160, s10  }
0x124: {  	[tilespmem:s25], [sflag:$0x8] =	stream.indirect.gather [hbm4b:s1+s16], $0x80, s12, s16, $0xb8;
	[tilespmem:$0x1E500] =	vst v63  }
0x125: {  	_ =	swait.ge [sflag:s26], $0x1000  }
0x126: {  	[sflag:s26] =	ssyncset.done $0x0  }
0x127: {  	[sflag:s26] =	ssyncadd.s32 $0xFFFFF000  }
0x128: {  	_ =	swait.ge [sflag:s28], $0x1000  }
0x129: {  	[sflag:s28] =	ssyncset.done $0x0  }
0x12a: {  	[sflag:s28] =	ssyncadd.s32 $0xFFFFF000  }
0x12b: {  	_ =	swait.ge [sflag:s29], $0x1000  }
0x12c: {  	[sflag:s29] =	ssyncset.done $0x0  }
0x12d: {  	[sflag:s29] =	ssyncadd.s32 $0xFFFFF000  }
0x12e: {  	_ =	swait.ge [sflag:s30], $0x1000  }
0x12f: {  	[sflag:s30] =	ssyncset.done $0x0  }
0x130: {  	s12 =	sadd.s32 $0x80, s10;
	[sflag:s30] =	ssyncadd.s32 $0xFFFFF000  }
0x131: {  	[spmem:s2] =	stream.indirect.scatter.add.f32 [tilespmem:s17], [sflag:$0x9], $0x80, s12, s31, $0xb8;
	[tilespmem:$0x1E500] =	vst v63  }
0x132: {  	_ =	swait.ge [sflag:s15], $0x4000  }
0x133: {  	[sflag:s15] =	ssyncset.done $0x0  }
0x134: {  	s12 =	sadd.s32 $0x200, s10;
	[sflag:s15] =	ssyncadd.s32 $0xFFFFC000  }
0x135: {  	[tilespmem:s17], [sflag:$0x1] =	stream.indirect.gather [hbm4b:s1+s16], $0x80, s12, s16, $0xb8;
	[tilespmem:$0x1E500] =	vst v63  }
0x136: {  	s12 =	sadd.s32 $0x220, s10  }
0x137: {  	[tilespmem:s18], [sflag:$0x2] =	stream.indirect.gather [hbm4b:s1+s16], $0x80, s12, s16, $0xb8;
	[tilespmem:$0x1E500] =	vst v63  }
0x138: {  	s12 =	sadd.s32 $0x240, s10  }
0x139: {  	[tilespmem:s20], [sflag:$0x3] =	stream.indirect.gather [hbm4b:s1+s16], $0x80, s12, s16, $0xb8;
	[tilespmem:$0x1E500] =	vst v63  }
0x13a: {  	s12 =	sadd.s32 $0x260, s10  }
0x13b: {  	[tilespmem:s22], [sflag:$0x4] =	stream.indirect.gather [hbm4b:s1+s16], $0x80, s12, s16, $0xb8;
	[tilespmem:$0x1E500] =	vst v63  }
0x13c: {  	_ =	swait.ge [sflag:s0], $0x1000  }
0x13d: {  	[sflag:s0] =	ssyncset.done $0x0  }
0x13e: {  	[sflag:s0] =	ssyncadd.s32 $0xFFFFF000  }
0x13f: {  	_ =	swait.ge [sflag:s3], $0x1000  }
0x140: {  	[sflag:s3] =	ssyncset.done $0x0  }
0x141: {  	[sflag:s3] =	ssyncadd.s32 $0xFFFFF000  }
0x142: {  	_ =	swait.ge [sflag:s6], $0x1000  }
0x143: {  	[sflag:s6] =	ssyncset.done $0x0  }
0x144: {  	[sflag:s6] =	ssyncadd.s32 $0xFFFFF000  }
0x145: {  	_ =	swait.ge [sflag:s7], $0x1000  }
.Ltmp2:
0x146: {  	[sflag:s7] =	ssyncset.done $0x0;
	(pc) =	sbr.rel @p0 .LBB2_6-.Ltmp2, $4  }
0x147: {  	s10 =	sadd.s32 $0x180, s10;
	[sflag:s7] =	ssyncadd.s32 $0xFFFFF000  }
0x148: {  	[spmem:s2] =	stream.indirect.scatter.add.f32 [tilespmem:s14], [sflag:$0x9], $0x80, s10, s31, $0xb8;
	[tilespmem:$0x1E500] =	vst v63  }
0x149: {  	_ =	swait.ge [sflag:s15], $0x4000  }
0x14a: {  	s12 =	smov.u32 s19;
	s10 =	sshra.s32 s11, $0x2;
	[sflag:s15] =	ssyncset.done $0x0  }
0x14b: {  	s11 =	sadd.s32 $0x100, s10;
	[sflag:s15] =	ssyncadd.s32 $0xFFFFC000  }
0x14c: {  	[tilespmem:s14], [sflag:$0x5] =	stream.indirect.gather [hbm4b:s1+s16], $0x80, s11, s16, $0xb8;
	[tilespmem:$0x1E500] =	vst v63  }
0x14d: {  	s19 =	sadd.s32 $0x120, s10  }
0x14e: {  	[tilespmem:s23], [sflag:$0x6] =	stream.indirect.gather [hbm4b:s1+s16], $0x80, s19, s16, $0xb8;
	[tilespmem:$0x1E500] =	vst v63  }
0x14f: {  	s21 =	sadd.s32 $0x140, s10  }
0x150: {  	[tilespmem:s24], [sflag:$0x7] =	stream.indirect.gather [hbm4b:s1+s16], $0x80, s21, s16, $0xb8;
	[tilespmem:$0x1E500] =	vst v63  }
0x151: {  	s12 =	sadd.s32 $0x160, s10  }
0x152: {  	[tilespmem:s25], [sflag:$0x8] =	stream.indirect.gather [hbm4b:s1+s16], $0x80, s12, s16, $0xb8;
	[tilespmem:$0x1E500] =	vst v63  }
0x153: {  	_ =	swait.ge [sflag:s26], $0x1000  }
0x154: {  	[sflag:s26] =	ssyncset.done $0x0  }
0x155: {  	[sflag:s26] =	ssyncadd.s32 $0xFFFFF000  }
0x156: {  	_ =	swait.ge [sflag:s28], $0x1000  }
0x157: {  	[sflag:s28] =	ssyncset.done $0x0  }
0x158: {  	[sflag:s28] =	ssyncadd.s32 $0xFFFFF000  }
0x159: {  	_ =	swait.ge [sflag:s29], $0x1000  }
0x15a: {  	[sflag:s29] =	ssyncset.done $0x0  }
0x15b: {  	[sflag:s29] =	ssyncadd.s32 $0xFFFFF000  }
0x15c: {  	_ =	swait.ge [sflag:s30], $0x1000  }
0x15d: {  	[sflag:s30] =	ssyncset.done $0x0  }
0x15e: {  	s19 =	sadd.s32 $0x80, s10;
	[sflag:s30] =	ssyncadd.s32 $0xFFFFF000  }
0x15f: {  	[spmem:s2] =	stream.indirect.scatter.add.f32 [tilespmem:s17], [sflag:$0x9], $0x80, s19, s31, $0xb8;
	[tilespmem:$0x1E500] =	vst v63  }
0x160: {  	_ =	swait.ge [sflag:s15], $0x4000  }
0x161: {  	[sflag:s15] =	ssyncset.done $0x0  }
0x162: {  	s21 =	sadd.s32 $0x200, s10;
	[sflag:s15] =	ssyncadd.s32 $0xFFFFC000  }
0x163: {  	[tilespmem:s17], [sflag:$0x1] =	stream.indirect.gather [hbm4b:s1+s16], $0x80, s21, s16, $0xb8;
	[tilespmem:$0x1E500] =	vst v63  }
0x164: {  	s12 =	sadd.s32 $0x220, s10  }
0x165: {  	[tilespmem:s18], [sflag:$0x2] =	stream.indirect.gather [hbm4b:s1+s16], $0x80, s12, s16, $0xb8;
	[tilespmem:$0x1E500] =	vst v63  }
0x166: {  	s19 =	sadd.s32 $0x240, s10  }
0x167: {  	[tilespmem:s20], [sflag:$0x3] =	stream.indirect.gather [hbm4b:s1+s16], $0x80, s19, s16, $0xb8;
	[tilespmem:$0x1E500] =	vst v63  }
0x168: {  	s21 =	sadd.s32 $0x260, s10  }
0x169: {  	[tilespmem:s22], [sflag:$0x4] =	stream.indirect.gather [hbm4b:s1+s16], $0x80, s21, s16, $0xb8;
	[tilespmem:$0x1E500] =	vst v63  }
0x16a: {  	_ =	swait.ge [sflag:s0], $0x1000  }
0x16b: {  	[sflag:s0] =	ssyncset.done $0x0  }
0x16c: {  	[sflag:s0] =	ssyncadd.s32 $0xFFFFF000  }
0x16d: {  	_ =	swait.ge [sflag:s3], $0x1000  }
0x16e: {  	[sflag:s3] =	ssyncset.done $0x0  }
0x16f: {  	[sflag:s3] =	ssyncadd.s32 $0xFFFFF000  }
0x170: {  	_ =	swait.ge [sflag:s6], $0x1000  }
0x171: {  	[sflag:s6] =	ssyncset.done $0x0  }
0x172: {  	[sflag:s6] =	ssyncadd.s32 $0xFFFFF000  }
0x173: {  	_ =	swait.ge [sflag:s7], $0x1000  }
0x174: {  	[sflag:s7] =	ssyncset.done $0x0  }
0x175: {  	s12 =	sadd.s32 $0x180, s10;
	[sflag:s7] =	ssyncadd.s32 $0xFFFFF000  }
0x176: {  	[spmem:s2] =	stream.indirect.scatter.add.f32 [tilespmem:s14], [sflag:$0x9], $0x80, s12, s31, $0xb8;
	[tilespmem:$0x1E500] =	vst v63  }
0x177: {  	_ =	swait.ge [sflag:s15], $0x4000  }
0x178: {  	[sflag:s15] =	ssyncset.done $0x0  }
0x179: {  	[sflag:s15] =	ssyncadd.s32 $0xFFFFC000  }
0x17a: {  	_ =	swait.ge [sflag:s26], $0x1000  }
0x17b: {  	[sflag:s26] =	ssyncset.done $0x0  }
0x17c: {  	[sflag:s26] =	ssyncadd.s32 $0xFFFFF000  }
0x17d: {  	_ =	swait.ge [sflag:s28], $0x1000  }
0x17e: {  	[sflag:s28] =	ssyncset.done $0x0  }
0x17f: {  	[sflag:s28] =	ssyncadd.s32 $0xFFFFF000  }
0x180: {  	_ =	swait.ge [sflag:s29], $0x1000  }
0x181: {  	[sflag:s29] =	ssyncset.done $0x0  }
0x182: {  	[sflag:s29] =	ssyncadd.s32 $0xFFFFF000  }
0x183: {  	_ =	swait.ge [sflag:s30], $0x1000  }
0x184: {  	[sflag:s30] =	ssyncset.done $0x0  }
0x185: {  	[sflag:s30] =	ssyncadd.s32 $0xFFFFF000  }
0x186: {  	[spmem:s2] =	stream.indirect.scatter.add.f32 [tilespmem:s17], [sflag:$0x9], $0x80, s9, s31, $0xb8;
	[tilespmem:$0x1E500] =	vst v63  }
0x187: {  	_ =	swait.ge [sflag:s15], $0x4000  }
0x188: {  	s19 =	stileid.u32;
	[sflag:s15] =	ssyncset.done $0x0  }
0x189: {  	s4 =	sadd.s32 $0x1, s4;
	s10 =	sshll.u32 s19, $0x6;
	[sflag:s15] =	ssyncadd.s32 $0xFFFFC000  }
0x18a: {  	p0 =	sne.s32 s4, s13;
	s10 =	sor.u32 $0x1C09, s10;
	[bflag:$0x0] =	sbarrier.arrive $0xFFFF  }
.Ltmp3:
0x18b: {  	s21 =	sshrl.u32 s5, $0x3;
	s12 =	rddreg [dreg:$0xa];
	(pc) =	sbr.rel @p0 .LBB2_1-.Ltmp3, $4  }
0x18c: {  	[hbm:s12], [sflag:s10] =	dma.local [spmem:s21], $0x2780  }
0x18d: {  	_ =	swait.ge [sflag:s15], $0x2780  }
0x18e: {  	[sflag:s15] =	ssyncset.done $0x0  }
0x18f: {  	[sflag:s15] =	ssyncadd.s32 $0xFFFFD880  }
0x190: {  	_ =	sfence.sel $0x180000  }
0x191: {  	[bflag:$0x0] =	sbarrier.arrive $0xFFFF  }
0x192: {  	_ =	strace $0x90000047  }
0x193: {  	s0 =	stileid.u32;
	[bflag:$0x2] =	sbarrier.arrive $0xFFFF  }
0x194: {  	p0 =	sne.s32 s0, $0x0;
	s0 =	rddreg [dreg:$0x4]  }
0x195: {  	s0 =	sadd.s32 @!p0 $0x100000, s0  }
0x196: {  	[sflag:s0] =	ssyncadd.tile.s32 @!p0 $0x1;
	_ =	shalt  }
.Lfunc_end2:
_tile_overlayer_lowered:
.L_overlay_start_2:
0x197: {  	(tag) =	ssettag $0x2  }
0x198: {  	s0 =	rddreg [dreg:$0x0];
	s2 =	stileid.u32  }
0x199: {  	s1 =	rddreg [dreg:$0x1];
	p0 =	sne.s32 s2, $0x0  }
0x19a: {  	s3 =	rddreg [dreg:$0x2];
	[bflag:$0x3] =	sbarrier.arrive $0xFFFF;
	s2 =	simm.s32 @!p0 $0x1C09  }
0x19b: {  	[timem:s3], [sflag:s2] =	dma.local @!p0 [hbm:s0], s1  }
0x19c: {  	s0 =	simm.s32 @!p0 $0x9  }
0x19d: {  	_ =	swait.ge @!p0 [sflag:s0], s1  }
0x19e: {  	s1 =	ssub.s32 @!p0 $0x0, s1;
	[sflag:s0] =	ssyncset.done @!p0 $0x0  }
0x19f: {  	[sflag:s0] =	ssyncadd.s32 @!p0 s1  }
0x1a0: {  	[bflag:$0x3] =	sbarrier.arrive $0xFFFF  }
0x1a1: {  	_ =	shalt  }

</sc_bundles>
